<compile_context>
chip_gen: v7x
topology: tpu7x:2x2x1
jax: 0.10.2.dev20260603
libtpu: 0.0.44.dev20260713+nightly
codegen_flags: <defaults>
</compile_context>

<pallas_src>
import functools

import jax
import jax.numpy as jnp
from jax import lax
from jax.experimental import pallas as pl
from jax.experimental.pallas import tpu as pltpu
from jax.experimental.pallas import tpu_sc as plsc

EMB_N = 8192
EMB_D = 256
BM = 512
NCHUNK = 4
CW = EMB_N // NCHUNK
NSLICE = 6


def _e2_body(e_ref, e2_ref):
    e = e_ref[...]
    e2_ref[...] = lax.dot_general(
        jnp.ones((8, EMB_D), jnp.float32), e * e,
        (((1,), (1,)), ((), ())),
        precision=lax.Precision.HIGHEST,
        preferred_element_type=jnp.float32)


def _e2_kernel(e):
    return pl.pallas_call(
        _e2_body,
        out_shape=jax.ShapeDtypeStruct((8, EMB_N), jnp.float32),
    )(e)


def _vq_dist_argmin_body(x_ref, e_ref, e2_ref, idx_ref, loss_ref, acc_ref):
    m = pl.program_id(0)
    x = x_ref[...]

    @pl.when(m == 0)
    def _init():
        acc_ref[0] = 0.0

    x2 = jnp.sum(x * x, axis=1, keepdims=True)
    xm2 = -2.0 * x
    iota = lax.broadcasted_iota(jnp.int32, (BM, CW), 1).astype(jnp.float32)
    best_v = None
    best_i = None
    for j in range(NCHUNK):
        ej = e_ref[pl.ds(j * CW, CW), :]
        t = lax.dot_general(xm2, ej, (((1,), (1,)), ((), ())),
                            preferred_element_type=jnp.float32)
        d = (x2 + e2_ref[0:1, pl.ds(j * CW, CW)]) + t
        mv = jnp.min(d, axis=1, keepdims=True)
        iv = jnp.min(jnp.where(d == mv, iota, jnp.float32(EMB_N)),
                     axis=1, keepdims=True) + jnp.float32(j * CW)
        if j == 0:
            best_v, best_i = mv, iv
        else:
            upd = mv < best_v
            best_i = jnp.where(upd, iv, best_i)
            best_v = jnp.where(upd, mv, best_v)
    idx_ref[...] = best_i[:, 0].astype(jnp.int32)
    acc_ref[0] += jnp.sum(best_v)

    @pl.when(m == pl.num_programs(0) - 1)
    def _fin():
        loss_ref[0] = acc_ref[0]


def _dist_argmin(x, e, e2, num_rows):
    grid = (num_rows // BM,)
    idx, loss_sum = pl.pallas_call(
        _vq_dist_argmin_body,
        grid=grid,
        in_specs=[
            pl.BlockSpec((BM, EMB_D), lambda m: (m, 0)),
            pl.BlockSpec((EMB_N, EMB_D), lambda m: (0, 0)),
            pl.BlockSpec((8, EMB_N), lambda m: (0, 0)),
        ],
        out_specs=[
            pl.BlockSpec((BM,), lambda m: (m,)),
            pl.BlockSpec(memory_space=pltpu.SMEM),
        ],
        out_shape=[
            jax.ShapeDtypeStruct((num_rows,), jnp.int32),
            jax.ShapeDtypeStruct((1,), jnp.float32),
        ],
        scratch_shapes=[pltpu.SMEM((1,), jnp.float32)],
    )(x, e, e2)
    return idx, loss_sum


def _sc_gather(table, idx, num_rows):
    info = plsc.get_sparse_core_info()
    nc, ns = info.num_cores, info.num_subcores
    nw = nc * ns
    rows_per_w = num_rows // nw
    chunk = min(rows_per_w, 288)
    n_chunks = rows_per_w // chunk
    mesh = plsc.VectorSubcoreMesh(core_axis_name="c", subcore_axis_name="s")

    @functools.partial(
        pl.kernel, mesh=mesh,
        out_type=jax.ShapeDtypeStruct((num_rows, EMB_D), jnp.float32),
        scratch_types=[
            pltpu.VMEM((chunk,), jnp.int32),
            pltpu.VMEM((chunk, EMB_D), jnp.float32),
            pltpu.SemaphoreType.DMA,
        ],
    )
    def gather_kernel(idx_hbm, table_hbm, out_hbm, idx_v, rows_v, sem):
        wid = lax.axis_index("s") * nc + lax.axis_index("c")
        for t in range(n_chunks):
            base = wid * rows_per_w + t * chunk
            pltpu.sync_copy(idx_hbm.at[pl.ds(base, chunk)], idx_v)
            pltpu.async_copy(table_hbm.at[idx_v], rows_v, sem).wait()
            pltpu.sync_copy(rows_v, out_hbm.at[pl.ds(base, chunk)])

    return gather_kernel(idx, table)


def kernel(inputs, embedding):
    x = inputs.reshape(-1, EMB_D)
    num_rows = x.shape[0]
    rows_s = num_rows // NSLICE
    e2 = _e2_kernel(embedding)
    idx_parts, q_parts, loss_parts = [], [], []
    for s in range(NSLICE):
        xs = lax.slice_in_dim(x, s * rows_s, (s + 1) * rows_s, axis=0)
        idx_s, loss_s = _dist_argmin(xs, embedding, e2, rows_s)
        q_s = _sc_gather(embedding, idx_s, rows_s)
        idx_parts.append(idx_s)
        q_parts.append(q_s)
        loss_parts.append(loss_s[0])
    idx = jnp.concatenate(idx_parts)
    quantized = jnp.concatenate(q_parts)
    loss_sum = loss_parts[0]
    for p in loss_parts[1:]:
        loss_sum = loss_sum + p
    loss = (0.5 / (num_rows * EMB_D)) * loss_sum
    return (quantized.reshape(inputs.shape), idx[:, None], loss)

# --- scband reference (transcript-rebuilt; emitter-appended) ---
"""Pipeline reference for scband-vector-quantization-17497696763999 (READ-ONLY COPY).

The authoritative reference and input builder live on the scoring server;
editing this copy changes nothing except your own understanding.
"""

import jax, jax.numpy as jnp
import numpy as np

NUM_EMBEDDINGS = 8192
EMBEDDING_DIM = 256
COMMITMENT_COST = 0.25


def setup_inputs(seed: int = 0) -> dict:
    key = jax.random.key(seed)
    k1, k2 = jax.random.split(key)
    inputs = jax.random.normal(k1, (32, 256, 24, 24), dtype=jnp.float32)
    embedding = jax.random.uniform(
        k2, (NUM_EMBEDDINGS, EMBEDDING_DIM), dtype=jnp.float32,
        minval=-1.0 / NUM_EMBEDDINGS, maxval=1.0 / NUM_EMBEDDINGS)
    return {"inputs": inputs, "embedding": embedding}


def reference(inputs, embedding):
    # Faithful translation of VectorQuantization.forward
    input_flattened = inputs.reshape(-1, EMBEDDING_DIM)
    distances = (
        jnp.sum(input_flattened ** 2, axis=1, keepdims=True)
        + jnp.sum(embedding ** 2, axis=1)
        - 2.0 * jnp.matmul(input_flattened, embedding.T)
    )
    encoding_indices = jnp.argmin(distances, axis=1)[:, None]
    quantized = jnp.take(embedding, encoding_indices[:, 0], axis=0).reshape(inputs.shape)
    e_latent_loss = jnp.mean((jax.lax.stop_gradient(quantized) - inputs) ** 2)
    q_latent_loss = jnp.mean((quantized - jax.lax.stop_gradient(inputs)) ** 2)
    commitment_loss = COMMITMENT_COST * (q_latent_loss + e_latent_loss)
    quantized = inputs + jax.lax.stop_gradient(quantized - inputs)
    return (quantized, encoding_indices, commitment_loss)

if __name__ == "__main__":
    import jax
    _d = setup_inputs()
    print(jax.jit(kernel)(*tuple(_d.values())))

</pallas_src>

<mosaic_0001>
#map = affine_map<(d0, d1) -> (0)>
#map1 = affine_map<(d0, d1) -> (0, 0)>
module attributes {stable_mosaic.version = 14 : i64} {
  func.func @gather_kernel(%arg0: i32, %arg1: i32, %arg2: memref<3072xi32, #tpu.memory_space<hbm>>, %arg3: memref<8192x256xf32, #tpu.memory_space<hbm>>, %arg4: memref<3072x256xf32, #tpu.memory_space<hbm>>, %arg5: memref<96xi32, #tpu.memory_space<vmem>>, %arg6: memref<96x256xf32, #tpu.memory_space<vmem>>, %arg7: memref<!tpu.dma_semaphore, #tpu.memory_space<semaphore_mem>>) attributes {dimension_semantics = [#tpu.dimension_semantics<core_parallel>, #tpu.dimension_semantics<subcore_parallel>], iteration_bounds = array<i64: 2, 16>, scalar_prefetch = 0 : i64, scratch_operands = 3 : i64, tpu.core_type = #tpu.core_type<sc_vector_subcore>, window_params = [{transform_indices = #map}, {transform_indices = #map1}, {transform_indices = #map1}]} {
    %mul3A = arith.constant 2 : i32
    %mul3A_0 = arith.muli %arg1, %mul3A : i32
    %add3A = arith.addi %mul3A_0, %arg0 : i32
    %mul3A_1 = arith.constant 96 : i32
    %mul3A_2 = arith.muli %add3A, %mul3A_1 : i32
    %add3A_3 = arith.constant 0 : i32
    %add3A_4 = arith.addi %mul3A_2, %add3A_3 : i32
    "tpu.region"() ({
      %run_scoped3A = tpu.sem_alloc : memref<!tpu.dma_semaphore, #tpu.memory_space<semaphore_mem>>
      %dma_start3A_9 = tpu.memref_slice %arg2[%add3A_4] : memref<3072xi32, #tpu.memory_space<hbm>> -> memref<96xi32, #tpu.memory_space<hbm>>
      %dma_start3A_10 = tpu.memref_slice %arg2[%add3A_4] : memref<3072xi32, #tpu.memory_space<hbm>> -> memref<96xi32, #tpu.memory_space<hbm>>
      tpu.enqueue_dma source(%dma_start3A_10 : memref<96xi32, #tpu.memory_space<hbm>>) target(%arg5 : memref<96xi32, #tpu.memory_space<vmem>>) target_semaphore(%run_scoped3A : memref<!tpu.dma_semaphore, #tpu.memory_space<semaphore_mem>>)
      %dma_wait3A_11 = tpu.memref_slice %arg2[%add3A_4] : memref<3072xi32, #tpu.memory_space<hbm>> -> memref<96xi32, #tpu.memory_space<hbm>>
      %dma_wait3A_12 = tpu.memref_slice %arg2[%add3A_4] : memref<3072xi32, #tpu.memory_space<hbm>> -> memref<96xi32, #tpu.memory_space<hbm>>
      tpu.wait_dma2 semaphore(%run_scoped3A : memref<!tpu.dma_semaphore, #tpu.memory_space<semaphore_mem>>) src(%dma_wait3A_12 : memref<96xi32, #tpu.memory_space<hbm>>) dst(%arg5 : memref<96xi32, #tpu.memory_space<vmem>>)
      tpu.yield
    }) : () -> ()
    %dma_start3A = arith.constant 0 : i32
    %dma_start3A_5 = arith.constant 0 : i32
    %dma_start3A_6 = tpu.memref_slice %arg3[%dma_start3A, %dma_start3A_5] : memref<8192x256xf32, #tpu.memory_space<hbm>> -> memref<8192x256xf32, #tpu.memory_space<hbm>>
    tpu.enqueue_indirect_dma source(%dma_start3A_6 : memref<8192x256xf32, #tpu.memory_space<hbm>>) target(%arg6 : memref<96x256xf32, #tpu.memory_space<vmem>>) offsets(%arg5 : memref<96xi32, #tpu.memory_space<vmem>>) semaphore(%arg7 : memref<!tpu.dma_semaphore, #tpu.memory_space<semaphore_mem>>)
    %dma_wait3A = arith.constant 0 : i32
    %dma_wait3A_7 = arith.constant 0 : i32
    %dma_wait3A_8 = tpu.memref_slice %arg3[%dma_wait3A, %dma_wait3A_7] : memref<8192x256xf32, #tpu.memory_space<hbm>> -> memref<8192x256xf32, #tpu.memory_space<hbm>>
    tpu.wait_indirect_dma semaphore(%arg7 : memref<!tpu.dma_semaphore, #tpu.memory_space<semaphore_mem>>) src(%dma_wait3A_8 : memref<8192x256xf32, #tpu.memory_space<hbm>>) dst(%arg6 : memref<96x256xf32, #tpu.memory_space<vmem>>)
    "tpu.region"() ({
      %run_scoped3A = tpu.sem_alloc : memref<!tpu.dma_semaphore, #tpu.memory_space<semaphore_mem>>
      %dma_start3A_9 = arith.constant 0 : i32
      %dma_start3A_10 = tpu.memref_slice %arg4[%add3A_4, %dma_start3A_9] : memref<3072x256xf32, #tpu.memory_space<hbm>> -> memref<96x256xf32, #tpu.memory_space<hbm>>
      %dma_start3A_11 = arith.constant 0 : i32
      %dma_start3A_12 = tpu.memref_slice %arg4[%add3A_4, %dma_start3A_11] : memref<3072x256xf32, #tpu.memory_space<hbm>> -> memref<96x256xf32, #tpu.memory_space<hbm>>
      tpu.enqueue_dma source(%arg6 : memref<96x256xf32, #tpu.memory_space<vmem>>) target(%dma_start3A_12 : memref<96x256xf32, #tpu.memory_space<hbm>>) target_semaphore(%run_scoped3A : memref<!tpu.dma_semaphore, #tpu.memory_space<semaphore_mem>>)
      %dma_wait3A_13 = arith.constant 0 : i32
      %dma_wait3A_14 = tpu.memref_slice %arg4[%add3A_4, %dma_wait3A_13] : memref<3072x256xf32, #tpu.memory_space<hbm>> -> memref<96x256xf32, #tpu.memory_space<hbm>>
      %dma_wait3A_15 = arith.constant 0 : i32
      %dma_wait3A_16 = tpu.memref_slice %arg4[%add3A_4, %dma_wait3A_15] : memref<3072x256xf32, #tpu.memory_space<hbm>> -> memref<96x256xf32, #tpu.memory_space<hbm>>
      tpu.wait_dma2 semaphore(%run_scoped3A : memref<!tpu.dma_semaphore, #tpu.memory_space<semaphore_mem>>) src(%arg6 : memref<96x256xf32, #tpu.memory_space<vmem>>) dst(%dma_wait3A_16 : memref<96x256xf32, #tpu.memory_space<hbm>>)
      tpu.yield
    }) : () -> ()
    return
  }
}

#map = affine_map<(d0, d1) -> (0)>
#map1 = affine_map<(d0, d1) -> (0, 0)>
module attributes {stable_mosaic.version = 14 : i64} {
  func.func @gather_kernel(%arg0: i32, %arg1: i32, %arg2: memref<3072xi32, #tpu.memory_space<hbm>>, %arg3: memref<8192x256xf32, #tpu.memory_space<hbm>>, %arg4: memref<3072x256xf32, #tpu.memory_space<hbm>>, %arg5: memref<96xi32, #tpu.memory_space<vmem>>, %arg6: memref<96x256xf32, #tpu.memory_space<vmem>>, %arg7: memref<!tpu.dma_semaphore, #tpu.memory_space<semaphore_mem>>) attributes {dimension_semantics = [#tpu.dimension_semantics<core_parallel>, #tpu.dimension_semantics<subcore_parallel>], iteration_bounds = array<i64: 2, 16>, scalar_prefetch = 0 : i64, scratch_operands = 3 : i64, tpu.core_type = #tpu.core_type<sc_vector_subcore>, window_params = [{transform_indices = #map}, {transform_indices = #map1}, {transform_indices = #map1}]} {
    %mul3A = arith.constant 2 : i32
    %mul3A_0 = arith.muli %arg1, %mul3A : i32
    %add3A = arith.addi %mul3A_0, %arg0 : i32
    %mul3A_1 = arith.constant 96 : i32
    %mul3A_2 = arith.muli %add3A, %mul3A_1 : i32
    %add3A_3 = arith.constant 0 : i32
    %add3A_4 = arith.addi %mul3A_2, %add3A_3 : i32
    "tpu.region"() ({
      %run_scoped3A = tpu.sem_alloc : memref<!tpu.dma_semaphore, #tpu.memory_space<semaphore_mem>>
      %dma_start3A_9 = tpu.memref_slice %arg2[%add3A_4] : memref<3072xi32, #tpu.memory_space<hbm>> -> memref<96xi32, #tpu.memory_space<hbm>>
      %dma_start3A_10 = tpu.memref_slice %arg2[%add3A_4] : memref<3072xi32, #tpu.memory_space<hbm>> -> memref<96xi32, #tpu.memory_space<hbm>>
      tpu.enqueue_dma source(%dma_start3A_10 : memref<96xi32, #tpu.memory_space<hbm>>) target(%arg5 : memref<96xi32, #tpu.memory_space<vmem>>) target_semaphore(%run_scoped3A : memref<!tpu.dma_semaphore, #tpu.memory_space<semaphore_mem>>)
      %dma_wait3A_11 = tpu.memref_slice %arg2[%add3A_4] : memref<3072xi32, #tpu.memory_space<hbm>> -> memref<96xi32, #tpu.memory_space<hbm>>
      %dma_wait3A_12 = tpu.memref_slice %arg2[%add3A_4] : memref<3072xi32, #tpu.memory_space<hbm>> -> memref<96xi32, #tpu.memory_space<hbm>>
      tpu.wait_dma2 semaphore(%run_scoped3A : memref<!tpu.dma_semaphore, #tpu.memory_space<semaphore_mem>>) src(%dma_wait3A_12 : memref<96xi32, #tpu.memory_space<hbm>>) dst(%arg5 : memref<96xi32, #tpu.memory_space<vmem>>)
      tpu.yield
    }) : () -> ()
    %dma_start3A = arith.constant 0 : i32
    %dma_start3A_5 = arith.constant 0 : i32
    %dma_start3A_6 = tpu.memref_slice %arg3[%dma_start3A, %dma_start3A_5] : memref<8192x256xf32, #tpu.memory_space<hbm>> -> memref<8192x256xf32, #tpu.memory_space<hbm>>
    tpu.enqueue_indirect_dma source(%dma_start3A_6 : memref<8192x256xf32, #tpu.memory_space<hbm>>) target(%arg6 : memref<96x256xf32, #tpu.memory_space<vmem>>) offsets(%arg5 : memref<96xi32, #tpu.memory_space<vmem>>) semaphore(%arg7 : memref<!tpu.dma_semaphore, #tpu.memory_space<semaphore_mem>>)
    %dma_wait3A = arith.constant 0 : i32
    %dma_wait3A_7 = arith.constant 0 : i32
    %dma_wait3A_8 = tpu.memref_slice %arg3[%dma_wait3A, %dma_wait3A_7] : memref<8192x256xf32, #tpu.memory_space<hbm>> -> memref<8192x256xf32, #tpu.memory_space<hbm>>
    tpu.wait_indirect_dma semaphore(%arg7 : memref<!tpu.dma_semaphore, #tpu.memory_space<semaphore_mem>>) src(%dma_wait3A_8 : memref<8192x256xf32, #tpu.memory_space<hbm>>) dst(%arg6 : memref<96x256xf32, #tpu.memory_space<vmem>>)
    "tpu.region"() ({
      %run_scoped3A = tpu.sem_alloc : memref<!tpu.dma_semaphore, #tpu.memory_space<semaphore_mem>>
      %dma_start3A_9 = arith.constant 0 : i32
      %dma_start3A_10 = tpu.memref_slice %arg4[%add3A_4, %dma_start3A_9] : memref<3072x256xf32, #tpu.memory_space<hbm>> -> memref<96x256xf32, #tpu.memory_space<hbm>>
      %dma_start3A_11 = arith.constant 0 : i32
      %dma_start3A_12 = tpu.memref_slice %arg4[%add3A_4, %dma_start3A_11] : memref<3072x256xf32, #tpu.memory_space<hbm>> -> memref<96x256xf32, #tpu.memory_space<hbm>>
      tpu.enqueue_dma source(%arg6 : memref<96x256xf32, #tpu.memory_space<vmem>>) target(%dma_start3A_12 : memref<96x256xf32, #tpu.memory_space<hbm>>) target_semaphore(%run_scoped3A : memref<!tpu.dma_semaphore, #tpu.memory_space<semaphore_mem>>)
      %dma_wait3A_13 = arith.constant 0 : i32
      %dma_wait3A_14 = tpu.memref_slice %arg4[%add3A_4, %dma_wait3A_13] : memref<3072x256xf32, #tpu.memory_space<hbm>> -> memref<96x256xf32, #tpu.memory_space<hbm>>
      %dma_wait3A_15 = arith.constant 0 : i32
      %dma_wait3A_16 = tpu.memref_slice %arg4[%add3A_4, %dma_wait3A_15] : memref<3072x256xf32, #tpu.memory_space<hbm>> -> memref<96x256xf32, #tpu.memory_space<hbm>>
      tpu.wait_dma2 semaphore(%run_scoped3A : memref<!tpu.dma_semaphore, #tpu.memory_space<semaphore_mem>>) src(%arg6 : memref<96x256xf32, #tpu.memory_space<vmem>>) dst(%dma_wait3A_16 : memref<96x256xf32, #tpu.memory_space<hbm>>)
      tpu.yield
    }) : () -> ()
    return
  }
}

#map = affine_map<(d0, d1) -> (0)>
#map1 = affine_map<(d0, d1) -> (0, 0)>
module attributes {stable_mosaic.version = 14 : i64} {
  func.func @gather_kernel(%arg0: i32, %arg1: i32, %arg2: memref<3072xi32, #tpu.memory_space<hbm>>, %arg3: memref<8192x256xf32, #tpu.memory_space<hbm>>, %arg4: memref<3072x256xf32, #tpu.memory_space<hbm>>, %arg5: memref<96xi32, #tpu.memory_space<vmem>>, %arg6: memref<96x256xf32, #tpu.memory_space<vmem>>, %arg7: memref<!tpu.dma_semaphore, #tpu.memory_space<semaphore_mem>>) attributes {dimension_semantics = [#tpu.dimension_semantics<core_parallel>, #tpu.dimension_semantics<subcore_parallel>], iteration_bounds = array<i64: 2, 16>, scalar_prefetch = 0 : i64, scratch_operands = 3 : i64, tpu.core_type = #tpu.core_type<sc_vector_subcore>, window_params = [{transform_indices = #map}, {transform_indices = #map1}, {transform_indices = #map1}]} {
    %mul3A = arith.constant 2 : i32
    %mul3A_0 = arith.muli %arg1, %mul3A : i32
    %add3A = arith.addi %mul3A_0, %arg0 : i32
    %mul3A_1 = arith.constant 96 : i32
    %mul3A_2 = arith.muli %add3A, %mul3A_1 : i32
    %add3A_3 = arith.constant 0 : i32
    %add3A_4 = arith.addi %mul3A_2, %add3A_3 : i32
    "tpu.region"() ({
      %run_scoped3A = tpu.sem_alloc : memref<!tpu.dma_semaphore, #tpu.memory_space<semaphore_mem>>
      %dma_start3A_9 = tpu.memref_slice %arg2[%add3A_4] : memref<3072xi32, #tpu.memory_space<hbm>> -> memref<96xi32, #tpu.memory_space<hbm>>
      %dma_start3A_10 = tpu.memref_slice %arg2[%add3A_4] : memref<3072xi32, #tpu.memory_space<hbm>> -> memref<96xi32, #tpu.memory_space<hbm>>
      tpu.enqueue_dma source(%dma_start3A_10 : memref<96xi32, #tpu.memory_space<hbm>>) target(%arg5 : memref<96xi32, #tpu.memory_space<vmem>>) target_semaphore(%run_scoped3A : memref<!tpu.dma_semaphore, #tpu.memory_space<semaphore_mem>>)
      %dma_wait3A_11 = tpu.memref_slice %arg2[%add3A_4] : memref<3072xi32, #tpu.memory_space<hbm>> -> memref<96xi32, #tpu.memory_space<hbm>>
      %dma_wait3A_12 = tpu.memref_slice %arg2[%add3A_4] : memref<3072xi32, #tpu.memory_space<hbm>> -> memref<96xi32, #tpu.memory_space<hbm>>
      tpu.wait_dma2 semaphore(%run_scoped3A : memref<!tpu.dma_semaphore, #tpu.memory_space<semaphore_mem>>) src(%dma_wait3A_12 : memref<96xi32, #tpu.memory_space<hbm>>) dst(%arg5 : memref<96xi32, #tpu.memory_space<vmem>>)
      tpu.yield
    }) : () -> ()
    %dma_start3A = arith.constant 0 : i32
    %dma_start3A_5 = arith.constant 0 : i32
    %dma_start3A_6 = tpu.memref_slice %arg3[%dma_start3A, %dma_start3A_5] : memref<8192x256xf32, #tpu.memory_space<hbm>> -> memref<8192x256xf32, #tpu.memory_space<hbm>>
    tpu.enqueue_indirect_dma source(%dma_start3A_6 : memref<8192x256xf32, #tpu.memory_space<hbm>>) target(%arg6 : memref<96x256xf32, #tpu.memory_space<vmem>>) offsets(%arg5 : memref<96xi32, #tpu.memory_space<vmem>>) semaphore(%arg7 : memref<!tpu.dma_semaphore, #tpu.memory_space<semaphore_mem>>)
    %dma_wait3A = arith.constant 0 : i32
    %dma_wait3A_7 = arith.constant 0 : i32
    %dma_wait3A_8 = tpu.memref_slice %arg3[%dma_wait3A, %dma_wait3A_7] : memref<8192x256xf32, #tpu.memory_space<hbm>> -> memref<8192x256xf32, #tpu.memory_space<hbm>>
    tpu.wait_indirect_dma semaphore(%arg7 : memref<!tpu.dma_semaphore, #tpu.memory_space<semaphore_mem>>) src(%dma_wait3A_8 : memref<8192x256xf32, #tpu.memory_space<hbm>>) dst(%arg6 : memref<96x256xf32, #tpu.memory_space<vmem>>)
    "tpu.region"() ({
      %run_scoped3A = tpu.sem_alloc : memref<!tpu.dma_semaphore, #tpu.memory_space<semaphore_mem>>
      %dma_start3A_9 = arith.constant 0 : i32
      %dma_start3A_10 = tpu.memref_slice %arg4[%add3A_4, %dma_start3A_9] : memref<3072x256xf32, #tpu.memory_space<hbm>> -> memref<96x256xf32, #tpu.memory_space<hbm>>
      %dma_start3A_11 = arith.constant 0 : i32
      %dma_start3A_12 = tpu.memref_slice %arg4[%add3A_4, %dma_start3A_11] : memref<3072x256xf32, #tpu.memory_space<hbm>> -> memref<96x256xf32, #tpu.memory_space<hbm>>
      tpu.enqueue_dma source(%arg6 : memref<96x256xf32, #tpu.memory_space<vmem>>) target(%dma_start3A_12 : memref<96x256xf32, #tpu.memory_space<hbm>>) target_semaphore(%run_scoped3A : memref<!tpu.dma_semaphore, #tpu.memory_space<semaphore_mem>>)
      %dma_wait3A_13 = arith.constant 0 : i32
      %dma_wait3A_14 = tpu.memref_slice %arg4[%add3A_4, %dma_wait3A_13] : memref<3072x256xf32, #tpu.memory_space<hbm>> -> memref<96x256xf32, #tpu.memory_space<hbm>>
      %dma_wait3A_15 = arith.constant 0 : i32
      %dma_wait3A_16 = tpu.memref_slice %arg4[%add3A_4, %dma_wait3A_15] : memref<3072x256xf32, #tpu.memory_space<hbm>> -> memref<96x256xf32, #tpu.memory_space<hbm>>
      tpu.wait_dma2 semaphore(%run_scoped3A : memref<!tpu.dma_semaphore, #tpu.memory_space<semaphore_mem>>) src(%arg6 : memref<96x256xf32, #tpu.memory_space<vmem>>) dst(%dma_wait3A_16 : memref<96x256xf32, #tpu.memory_space<hbm>>)
      tpu.yield
    }) : () -> ()
    return
  }
}

#map = affine_map<(d0, d1) -> (0)>
#map1 = affine_map<(d0, d1) -> (0, 0)>
module attributes {stable_mosaic.version = 14 : i64} {
  func.func @gather_kernel(%arg0: i32, %arg1: i32, %arg2: memref<3072xi32, #tpu.memory_space<hbm>>, %arg3: memref<8192x256xf32, #tpu.memory_space<hbm>>, %arg4: memref<3072x256xf32, #tpu.memory_space<hbm>>, %arg5: memref<96xi32, #tpu.memory_space<vmem>>, %arg6: memref<96x256xf32, #tpu.memory_space<vmem>>, %arg7: memref<!tpu.dma_semaphore, #tpu.memory_space<semaphore_mem>>) attributes {dimension_semantics = [#tpu.dimension_semantics<core_parallel>, #tpu.dimension_semantics<subcore_parallel>], iteration_bounds = array<i64: 2, 16>, scalar_prefetch = 0 : i64, scratch_operands = 3 : i64, tpu.core_type = #tpu.core_type<sc_vector_subcore>, window_params = [{transform_indices = #map}, {transform_indices = #map1}, {transform_indices = #map1}]} {
    %mul3A = arith.constant 2 : i32
    %mul3A_0 = arith.muli %arg1, %mul3A : i32
    %add3A = arith.addi %mul3A_0, %arg0 : i32
    %mul3A_1 = arith.constant 96 : i32
    %mul3A_2 = arith.muli %add3A, %mul3A_1 : i32
    %add3A_3 = arith.constant 0 : i32
    %add3A_4 = arith.addi %mul3A_2, %add3A_3 : i32
    "tpu.region"() ({
      %run_scoped3A = tpu.sem_alloc : memref<!tpu.dma_semaphore, #tpu.memory_space<semaphore_mem>>
      %dma_start3A_9 = tpu.memref_slice %arg2[%add3A_4] : memref<3072xi32, #tpu.memory_space<hbm>> -> memref<96xi32, #tpu.memory_space<hbm>>
      %dma_start3A_10 = tpu.memref_slice %arg2[%add3A_4] : memref<3072xi32, #tpu.memory_space<hbm>> -> memref<96xi32, #tpu.memory_space<hbm>>
      tpu.enqueue_dma source(%dma_start3A_10 : memref<96xi32, #tpu.memory_space<hbm>>) target(%arg5 : memref<96xi32, #tpu.memory_space<vmem>>) target_semaphore(%run_scoped3A : memref<!tpu.dma_semaphore, #tpu.memory_space<semaphore_mem>>)
      %dma_wait3A_11 = tpu.memref_slice %arg2[%add3A_4] : memref<3072xi32, #tpu.memory_space<hbm>> -> memref<96xi32, #tpu.memory_space<hbm>>
      %dma_wait3A_12 = tpu.memref_slice %arg2[%add3A_4] : memref<3072xi32, #tpu.memory_space<hbm>> -> memref<96xi32, #tpu.memory_space<hbm>>
      tpu.wait_dma2 semaphore(%run_scoped3A : memref<!tpu.dma_semaphore, #tpu.memory_space<semaphore_mem>>) src(%dma_wait3A_12 : memref<96xi32, #tpu.memory_space<hbm>>) dst(%arg5 : memref<96xi32, #tpu.memory_space<vmem>>)
      tpu.yield
    }) : () -> ()
    %dma_start3A = arith.constant 0 : i32
    %dma_start3A_5 = arith.constant 0 : i32
    %dma_start3A_6 = tpu.memref_slice %arg3[%dma_start3A, %dma_start3A_5] : memref<8192x256xf32, #tpu.memory_space<hbm>> -> memref<8192x256xf32, #tpu.memory_space<hbm>>
    tpu.enqueue_indirect_dma source(%dma_start3A_6 : memref<8192x256xf32, #tpu.memory_space<hbm>>) target(%arg6 : memref<96x256xf32, #tpu.memory_space<vmem>>) offsets(%arg5 : memref<96xi32, #tpu.memory_space<vmem>>) semaphore(%arg7 : memref<!tpu.dma_semaphore, #tpu.memory_space<semaphore_mem>>)
    %dma_wait3A = arith.constant 0 : i32
    %dma_wait3A_7 = arith.constant 0 : i32
    %dma_wait3A_8 = tpu.memref_slice %arg3[%dma_wait3A, %dma_wait3A_7] : memref<8192x256xf32, #tpu.memory_space<hbm>> -> memref<8192x256xf32, #tpu.memory_space<hbm>>
    tpu.wait_indirect_dma semaphore(%arg7 : memref<!tpu.dma_semaphore, #tpu.memory_space<semaphore_mem>>) src(%dma_wait3A_8 : memref<8192x256xf32, #tpu.memory_space<hbm>>) dst(%arg6 : memref<96x256xf32, #tpu.memory_space<vmem>>)
    "tpu.region"() ({
      %run_scoped3A = tpu.sem_alloc : memref<!tpu.dma_semaphore, #tpu.memory_space<semaphore_mem>>
      %dma_start3A_9 = arith.constant 0 : i32
      %dma_start3A_10 = tpu.memref_slice %arg4[%add3A_4, %dma_start3A_9] : memref<3072x256xf32, #tpu.memory_space<hbm>> -> memref<96x256xf32, #tpu.memory_space<hbm>>
      %dma_start3A_11 = arith.constant 0 : i32
      %dma_start3A_12 = tpu.memref_slice %arg4[%add3A_4, %dma_start3A_11] : memref<3072x256xf32, #tpu.memory_space<hbm>> -> memref<96x256xf32, #tpu.memory_space<hbm>>
      tpu.enqueue_dma source(%arg6 : memref<96x256xf32, #tpu.memory_space<vmem>>) target(%dma_start3A_12 : memref<96x256xf32, #tpu.memory_space<hbm>>) target_semaphore(%run_scoped3A : memref<!tpu.dma_semaphore, #tpu.memory_space<semaphore_mem>>)
      %dma_wait3A_13 = arith.constant 0 : i32
      %dma_wait3A_14 = tpu.memref_slice %arg4[%add3A_4, %dma_wait3A_13] : memref<3072x256xf32, #tpu.memory_space<hbm>> -> memref<96x256xf32, #tpu.memory_space<hbm>>
      %dma_wait3A_15 = arith.constant 0 : i32
      %dma_wait3A_16 = tpu.memref_slice %arg4[%add3A_4, %dma_wait3A_15] : memref<3072x256xf32, #tpu.memory_space<hbm>> -> memref<96x256xf32, #tpu.memory_space<hbm>>
      tpu.wait_dma2 semaphore(%run_scoped3A : memref<!tpu.dma_semaphore, #tpu.memory_space<semaphore_mem>>) src(%arg6 : memref<96x256xf32, #tpu.memory_space<vmem>>) dst(%dma_wait3A_16 : memref<96x256xf32, #tpu.memory_space<hbm>>)
      tpu.yield
    }) : () -> ()
    return
  }
}

#map = affine_map<(d0, d1) -> (0)>
#map1 = affine_map<(d0, d1) -> (0, 0)>
module attributes {stable_mosaic.version = 14 : i64} {
  func.func @gather_kernel(%arg0: i32, %arg1: i32, %arg2: memref<3072xi32, #tpu.memory_space<hbm>>, %arg3: memref<8192x256xf32, #tpu.memory_space<hbm>>, %arg4: memref<3072x256xf32, #tpu.memory_space<hbm>>, %arg5: memref<96xi32, #tpu.memory_space<vmem>>, %arg6: memref<96x256xf32, #tpu.memory_space<vmem>>, %arg7: memref<!tpu.dma_semaphore, #tpu.memory_space<semaphore_mem>>) attributes {dimension_semantics = [#tpu.dimension_semantics<core_parallel>, #tpu.dimension_semantics<subcore_parallel>], iteration_bounds = array<i64: 2, 16>, scalar_prefetch = 0 : i64, scratch_operands = 3 : i64, tpu.core_type = #tpu.core_type<sc_vector_subcore>, window_params = [{transform_indices = #map}, {transform_indices = #map1}, {transform_indices = #map1}]} {
    %mul3A = arith.constant 2 : i32
    %mul3A_0 = arith.muli %arg1, %mul3A : i32
    %add3A = arith.addi %mul3A_0, %arg0 : i32
    %mul3A_1 = arith.constant 96 : i32
    %mul3A_2 = arith.muli %add3A, %mul3A_1 : i32
    %add3A_3 = arith.constant 0 : i32
    %add3A_4 = arith.addi %mul3A_2, %add3A_3 : i32
    "tpu.region"() ({
      %run_scoped3A = tpu.sem_alloc : memref<!tpu.dma_semaphore, #tpu.memory_space<semaphore_mem>>
      %dma_start3A_9 = tpu.memref_slice %arg2[%add3A_4] : memref<3072xi32, #tpu.memory_space<hbm>> -> memref<96xi32, #tpu.memory_space<hbm>>
      %dma_start3A_10 = tpu.memref_slice %arg2[%add3A_4] : memref<3072xi32, #tpu.memory_space<hbm>> -> memref<96xi32, #tpu.memory_space<hbm>>
      tpu.enqueue_dma source(%dma_start3A_10 : memref<96xi32, #tpu.memory_space<hbm>>) target(%arg5 : memref<96xi32, #tpu.memory_space<vmem>>) target_semaphore(%run_scoped3A : memref<!tpu.dma_semaphore, #tpu.memory_space<semaphore_mem>>)
      %dma_wait3A_11 = tpu.memref_slice %arg2[%add3A_4] : memref<3072xi32, #tpu.memory_space<hbm>> -> memref<96xi32, #tpu.memory_space<hbm>>
      %dma_wait3A_12 = tpu.memref_slice %arg2[%add3A_4] : memref<3072xi32, #tpu.memory_space<hbm>> -> memref<96xi32, #tpu.memory_space<hbm>>
      tpu.wait_dma2 semaphore(%run_scoped3A : memref<!tpu.dma_semaphore, #tpu.memory_space<semaphore_mem>>) src(%dma_wait3A_12 : memref<96xi32, #tpu.memory_space<hbm>>) dst(%arg5 : memref<96xi32, #tpu.memory_space<vmem>>)
      tpu.yield
    }) : () -> ()
    %dma_start3A = arith.constant 0 : i32
    %dma_start3A_5 = arith.constant 0 : i32
    %dma_start3A_6 = tpu.memref_slice %arg3[%dma_start3A, %dma_start3A_5] : memref<8192x256xf32, #tpu.memory_space<hbm>> -> memref<8192x256xf32, #tpu.memory_space<hbm>>
    tpu.enqueue_indirect_dma source(%dma_start3A_6 : memref<8192x256xf32, #tpu.memory_space<hbm>>) target(%arg6 : memref<96x256xf32, #tpu.memory_space<vmem>>) offsets(%arg5 : memref<96xi32, #tpu.memory_space<vmem>>) semaphore(%arg7 : memref<!tpu.dma_semaphore, #tpu.memory_space<semaphore_mem>>)
    %dma_wait3A = arith.constant 0 : i32
    %dma_wait3A_7 = arith.constant 0 : i32
    %dma_wait3A_8 = tpu.memref_slice %arg3[%dma_wait3A, %dma_wait3A_7] : memref<8192x256xf32, #tpu.memory_space<hbm>> -> memref<8192x256xf32, #tpu.memory_space<hbm>>
    tpu.wait_indirect_dma semaphore(%arg7 : memref<!tpu.dma_semaphore, #tpu.memory_space<semaphore_mem>>) src(%dma_wait3A_8 : memref<8192x256xf32, #tpu.memory_space<hbm>>) dst(%arg6 : memref<96x256xf32, #tpu.memory_space<vmem>>)
    "tpu.region"() ({
      %run_scoped3A = tpu.sem_alloc : memref<!tpu.dma_semaphore, #tpu.memory_space<semaphore_mem>>
      %dma_start3A_9 = arith.constant 0 : i32
      %dma_start3A_10 = tpu.memref_slice %arg4[%add3A_4, %dma_start3A_9] : memref<3072x256xf32, #tpu.memory_space<hbm>> -> memref<96x256xf32, #tpu.memory_space<hbm>>
      %dma_start3A_11 = arith.constant 0 : i32
      %dma_start3A_12 = tpu.memref_slice %arg4[%add3A_4, %dma_start3A_11] : memref<3072x256xf32, #tpu.memory_space<hbm>> -> memref<96x256xf32, #tpu.memory_space<hbm>>
      tpu.enqueue_dma source(%arg6 : memref<96x256xf32, #tpu.memory_space<vmem>>) target(%dma_start3A_12 : memref<96x256xf32, #tpu.memory_space<hbm>>) target_semaphore(%run_scoped3A : memref<!tpu.dma_semaphore, #tpu.memory_space<semaphore_mem>>)
      %dma_wait3A_13 = arith.constant 0 : i32
      %dma_wait3A_14 = tpu.memref_slice %arg4[%add3A_4, %dma_wait3A_13] : memref<3072x256xf32, #tpu.memory_space<hbm>> -> memref<96x256xf32, #tpu.memory_space<hbm>>
      %dma_wait3A_15 = arith.constant 0 : i32
      %dma_wait3A_16 = tpu.memref_slice %arg4[%add3A_4, %dma_wait3A_15] : memref<3072x256xf32, #tpu.memory_space<hbm>> -> memref<96x256xf32, #tpu.memory_space<hbm>>
      tpu.wait_dma2 semaphore(%run_scoped3A : memref<!tpu.dma_semaphore, #tpu.memory_space<semaphore_mem>>) src(%arg6 : memref<96x256xf32, #tpu.memory_space<vmem>>) dst(%dma_wait3A_16 : memref<96x256xf32, #tpu.memory_space<hbm>>)
      tpu.yield
    }) : () -> ()
    return
  }
}

#map = affine_map<(d0, d1) -> (0)>
#map1 = affine_map<(d0, d1) -> (0, 0)>
module attributes {stable_mosaic.version = 14 : i64} {
  func.func @gather_kernel(%arg0: i32, %arg1: i32, %arg2: memref<3072xi32, #tpu.memory_space<hbm>>, %arg3: memref<8192x256xf32, #tpu.memory_space<hbm>>, %arg4: memref<3072x256xf32, #tpu.memory_space<hbm>>, %arg5: memref<96xi32, #tpu.memory_space<vmem>>, %arg6: memref<96x256xf32, #tpu.memory_space<vmem>>, %arg7: memref<!tpu.dma_semaphore, #tpu.memory_space<semaphore_mem>>) attributes {dimension_semantics = [#tpu.dimension_semantics<core_parallel>, #tpu.dimension_semantics<subcore_parallel>], iteration_bounds = array<i64: 2, 16>, scalar_prefetch = 0 : i64, scratch_operands = 3 : i64, tpu.core_type = #tpu.core_type<sc_vector_subcore>, window_params = [{transform_indices = #map}, {transform_indices = #map1}, {transform_indices = #map1}]} {
    %mul3A = arith.constant 2 : i32
    %mul3A_0 = arith.muli %arg1, %mul3A : i32
    %add3A = arith.addi %mul3A_0, %arg0 : i32
    %mul3A_1 = arith.constant 96 : i32
    %mul3A_2 = arith.muli %add3A, %mul3A_1 : i32
    %add3A_3 = arith.constant 0 : i32
    %add3A_4 = arith.addi %mul3A_2, %add3A_3 : i32
    "tpu.region"() ({
      %run_scoped3A = tpu.sem_alloc : memref<!tpu.dma_semaphore, #tpu.memory_space<semaphore_mem>>
      %dma_start3A_9 = tpu.memref_slice %arg2[%add3A_4] : memref<3072xi32, #tpu.memory_space<hbm>> -> memref<96xi32, #tpu.memory_space<hbm>>
      %dma_start3A_10 = tpu.memref_slice %arg2[%add3A_4] : memref<3072xi32, #tpu.memory_space<hbm>> -> memref<96xi32, #tpu.memory_space<hbm>>
      tpu.enqueue_dma source(%dma_start3A_10 : memref<96xi32, #tpu.memory_space<hbm>>) target(%arg5 : memref<96xi32, #tpu.memory_space<vmem>>) target_semaphore(%run_scoped3A : memref<!tpu.dma_semaphore, #tpu.memory_space<semaphore_mem>>)
      %dma_wait3A_11 = tpu.memref_slice %arg2[%add3A_4] : memref<3072xi32, #tpu.memory_space<hbm>> -> memref<96xi32, #tpu.memory_space<hbm>>
      %dma_wait3A_12 = tpu.memref_slice %arg2[%add3A_4] : memref<3072xi32, #tpu.memory_space<hbm>> -> memref<96xi32, #tpu.memory_space<hbm>>
      tpu.wait_dma2 semaphore(%run_scoped3A : memref<!tpu.dma_semaphore, #tpu.memory_space<semaphore_mem>>) src(%dma_wait3A_12 : memref<96xi32, #tpu.memory_space<hbm>>) dst(%arg5 : memref<96xi32, #tpu.memory_space<vmem>>)
      tpu.yield
    }) : () -> ()
    %dma_start3A = arith.constant 0 : i32
    %dma_start3A_5 = arith.constant 0 : i32
    %dma_start3A_6 = tpu.memref_slice %arg3[%dma_start3A, %dma_start3A_5] : memref<8192x256xf32, #tpu.memory_space<hbm>> -> memref<8192x256xf32, #tpu.memory_space<hbm>>
    tpu.enqueue_indirect_dma source(%dma_start3A_6 : memref<8192x256xf32, #tpu.memory_space<hbm>>) target(%arg6 : memref<96x256xf32, #tpu.memory_space<vmem>>) offsets(%arg5 : memref<96xi32, #tpu.memory_space<vmem>>) semaphore(%arg7 : memref<!tpu.dma_semaphore, #tpu.memory_space<semaphore_mem>>)
    %dma_wait3A = arith.constant 0 : i32
    %dma_wait3A_7 = arith.constant 0 : i32
    %dma_wait3A_8 = tpu.memref_slice %arg3[%dma_wait3A, %dma_wait3A_7] : memref<8192x256xf32, #tpu.memory_space<hbm>> -> memref<8192x256xf32, #tpu.memory_space<hbm>>
    tpu.wait_indirect_dma semaphore(%arg7 : memref<!tpu.dma_semaphore, #tpu.memory_space<semaphore_mem>>) src(%dma_wait3A_8 : memref<8192x256xf32, #tpu.memory_space<hbm>>) dst(%arg6 : memref<96x256xf32, #tpu.memory_space<vmem>>)
    "tpu.region"() ({
      %run_scoped3A = tpu.sem_alloc : memref<!tpu.dma_semaphore, #tpu.memory_space<semaphore_mem>>
      %dma_start3A_9 = arith.constant 0 : i32
      %dma_start3A_10 = tpu.memref_slice %arg4[%add3A_4, %dma_start3A_9] : memref<3072x256xf32, #tpu.memory_space<hbm>> -> memref<96x256xf32, #tpu.memory_space<hbm>>
      %dma_start3A_11 = arith.constant 0 : i32
      %dma_start3A_12 = tpu.memref_slice %arg4[%add3A_4, %dma_start3A_11] : memref<3072x256xf32, #tpu.memory_space<hbm>> -> memref<96x256xf32, #tpu.memory_space<hbm>>
      tpu.enqueue_dma source(%arg6 : memref<96x256xf32, #tpu.memory_space<vmem>>) target(%dma_start3A_12 : memref<96x256xf32, #tpu.memory_space<hbm>>) target_semaphore(%run_scoped3A : memref<!tpu.dma_semaphore, #tpu.memory_space<semaphore_mem>>)
      %dma_wait3A_13 = arith.constant 0 : i32
      %dma_wait3A_14 = tpu.memref_slice %arg4[%add3A_4, %dma_wait3A_13] : memref<3072x256xf32, #tpu.memory_space<hbm>> -> memref<96x256xf32, #tpu.memory_space<hbm>>
      %dma_wait3A_15 = arith.constant 0 : i32
      %dma_wait3A_16 = tpu.memref_slice %arg4[%add3A_4, %dma_wait3A_15] : memref<3072x256xf32, #tpu.memory_space<hbm>> -> memref<96x256xf32, #tpu.memory_space<hbm>>
      tpu.wait_dma2 semaphore(%run_scoped3A : memref<!tpu.dma_semaphore, #tpu.memory_space<semaphore_mem>>) src(%arg6 : memref<96x256xf32, #tpu.memory_space<vmem>>) dst(%dma_wait3A_16 : memref<96x256xf32, #tpu.memory_space<hbm>>)
      tpu.yield
    }) : () -> ()
    return
  }
}

module attributes {stable_mosaic.version = 14 : i64} {
  func.func @_e2_body(%arg0: memref<8192x256xf32, #tpu.memory_space<vmem>>, %arg1: memref<8x8192xf32, #tpu.memory_space<vmem>>) attributes {dimension_semantics = [], scalar_prefetch = 0 : i64, scratch_operands = 0 : i64, tpu.core_type = #tpu.core_type<tc>} {
    %get3A = arith.constant 0 : index
    %get3A_0 = arith.constant 0 : index
    %get3A_1 = vector.load %arg0[%get3A, %get3A_0] : memref<8192x256xf32, #tpu.memory_space<vmem>>, vector<8192x256xf32>
    %broadcast_in_dim3A = arith.constant 1.000000e+00 : f32
    %broadcast_in_dim3A_2 = vector.broadcast %broadcast_in_dim3A : f32 to vector<8x256xf32>
    %mul3A = arith.mulf %get3A_1, %get3A_1 : vector<8192x256xf32>
    %dot_general3A = arith.constant dense<0.000000e+00> : vector<8x8192xf32>
    %dot_general3A_3 = tpu.matmul %broadcast_in_dim3A_2, %mul3A, %dot_general3A {dimension_numbers = #tpu.dot_dimension_numbers<[1], [1], [0], [0], [0, 0, 1, 0], [], []>, precision = #tpu.contract_precision<fp32>, transpose_lhs_hint = false} : vector<8x256xf32>, vector<8192x256xf32>, vector<8x8192xf32> -> vector<8x8192xf32>
    %swap3A = arith.constant 0 : index
    %swap3A_4 = arith.constant 0 : index
    %swap3A_5 = vector.load %arg1[%swap3A, %swap3A_4] : memref<8x8192xf32, #tpu.memory_space<vmem>>, vector<8x8192xf32>
    tpu.vector_store %arg1[%swap3A, %swap3A_4], %dot_general3A_3 {strides = array<i32>} : memref<8x8192xf32, #tpu.memory_space<vmem>>, vector<8x8192xf32>,
    return
  }
}

module attributes {stable_mosaic.version = 14 : i64} {
  func.func @_vq_dist_argmin_body(%arg0: i32, %arg1: memref<512x256xf32, #tpu.memory_space<vmem>>, %arg2: memref<8192x256xf32, #tpu.memory_space<vmem>>, %arg3: memref<8x8192xf32, #tpu.memory_space<vmem>>, %arg4: memref<512xi32, #tpu.memory_space<vmem>>, %arg5: memref<1xf32, #tpu.memory_space<smem>>, %arg6: memref<1xf32, #tpu.memory_space<smem>>) attributes {dimension_semantics = [#tpu.dimension_semantics<arbitrary>], iteration_bounds = array<i64: 6>, scalar_prefetch = 0 : i64, scratch_operands = 1 : i64, tpu.core_type = #tpu.core_type<tc>, window_params = [{transform_indices = @transform_0, window_bounds = array<i64: 512, 256>}, {pipeline_mode = #tpu.pipeline_mode<synchronous>, transform_indices = @transform_1, window_bounds = array<i64: 8192, 256>}, {pipeline_mode = #tpu.pipeline_mode<synchronous>, transform_indices = @transform_2, window_bounds = array<i64: 8, 8192>}, {transform_indices = @transform_3, window_bounds = array<i64: 512>}, {transform_indices = @transform_4, window_bounds = array<i64: 1>}]} {
    %get3A = arith.constant 0 : index
    %get3A_0 = arith.constant 0 : index
    %get3A_1 = vector.load %arg1[%get3A, %get3A_0] : memref<512x256xf32, #tpu.memory_space<vmem>>, vector<512x256xf32>
    %eq3A = arith.constant 0 : i32
    %eq3A_2 = arith.cmpi eq, %arg0, %eq3A : i32
    %convert_element_type3A = arith.extui %eq3A_2 : i1 to i32
    %cond3A = arith.constant 0 : i32
    %cond3A_3 = arith.cmpi ne, %convert_element_type3A, %cond3A : i32
    scf.if %cond3A_3 {
      %swap3A_133 = arith.constant 0.000000e+00 : f32
      %swap3A_134 = arith.constant 0 : index
      %swap3A_135 = memref.load %arg6[%swap3A_134] : memref<1xf32, #tpu.memory_space<smem>>
      memref.store %swap3A_133, %arg6[%swap3A_134] : memref<1xf32, #tpu.memory_space<smem>>
    } else {
    }
    %mul3A = arith.mulf %get3A_1, %get3A_1 : vector<512x256xf32>
    %reduce_sum3A = arith.constant dense<0.000000e+00> : vector<512xf32>
    %reduce_sum3A_4 = vector.multi_reduction <add>, %mul3A, %reduce_sum3A [1] : vector<512x256xf32> to vector<512xf32>
    %broadcast_in_dim3A = vector.shape_cast %reduce_sum3A_4 : vector<512xf32> to vector<512x1xf32>
    %mul3A_5 = arith.constant -2.000000e+00 : f32
    %mul3A_6 = vector.broadcast %mul3A_5 : f32 to vector<512x256xf32>
    %mul3A_7 = arith.mulf %mul3A_6, %get3A_1 : vector<512x256xf32>
    %iota3A = tpu.iota {dimensions = array<i32: 1>} : vector<512x2048xi32>
    %convert_element_type3A_8 = arith.sitofp %iota3A : vector<512x2048xi32> to vector<512x2048xf32>
    %get3A_9 = arith.constant 0 : index
    %get3A_10 = arith.constant 0 : index
    %get3A_11 = vector.load %arg2[%get3A_9, %get3A_10] : memref<8192x256xf32, #tpu.memory_space<vmem>>, vector<2048x256xf32>
    %dot_general3A = arith.constant dense<0.000000e+00> : vector<512x2048xf32>
    %dot_general3A_12 = tpu.matmul %mul3A_7, %get3A_11, %dot_general3A {dimension_numbers = #tpu.dot_dimension_numbers<[1], [1], [0], [0], [0, 0, 1, 0], [], []>, transpose_lhs_hint = false} : vector<512x256xf32>, vector<2048x256xf32>, vector<512x2048xf32> -> vector<512x2048xf32>
    %get3A_13 = arith.constant 0 : index
    %get3A_14 = arith.constant 0 : index
    %get3A_15 = vector.load %arg3[%get3A_13, %get3A_14] : memref<8x8192xf32, #tpu.memory_space<vmem>>, vector<1x2048xf32>
    %add3A = vector.broadcast %broadcast_in_dim3A : vector<512x1xf32> to vector<512x2048xf32>
    %add3A_16 = vector.broadcast %get3A_15 : vector<1x2048xf32> to vector<512x2048xf32>
    %add3A_17 = arith.addf %add3A, %add3A_16 : vector<512x2048xf32>
    %add3A_18 = arith.addf %add3A_17, %dot_general3A_12 : vector<512x2048xf32>
    %reduce_min3A = arith.constant dense<0x7F800000> : vector<512xf32>
    %reduce_min3A_19 = vector.multi_reduction <minimumf>, %add3A_18, %reduce_min3A [1] : vector<512x2048xf32> to vector<512xf32>
    %broadcast_in_dim3A_20 = vector.shape_cast %reduce_min3A_19 : vector<512xf32> to vector<512x1xf32>
    %eq3A_21 = vector.broadcast %broadcast_in_dim3A_20 : vector<512x1xf32> to vector<512x2048xf32>
    %eq3A_22 = arith.cmpf oeq, %add3A_18, %eq3A_21 : vector<512x2048xf32>
    %jit3A = arith.constant 8.192000e+03 : f32
    %broadcast_in_dim3A_23 = vector.broadcast %jit3A : f32 to vector<512x2048xf32>
    %select_n3A = arith.select %eq3A_22, %convert_element_type3A_8, %broadcast_in_dim3A_23 : vector<512x2048xi1>, vector<512x2048xf32>
    %reduce_min3A_24 = arith.constant dense<0x7F800000> : vector<512xf32>
    %reduce_min3A_25 = vector.multi_reduction <minimumf>, %select_n3A, %reduce_min3A_24 [1] : vector<512x2048xf32> to vector<512xf32>
    %broadcast_in_dim3A_26 = vector.shape_cast %reduce_min3A_25 : vector<512xf32> to vector<512x1xf32>
    %add3A_27 = arith.constant 0.000000e+00 : f32
    %add3A_28 = vector.broadcast %add3A_27 : f32 to vector<512x1xf32>
    %add3A_29 = arith.addf %broadcast_in_dim3A_26, %add3A_28 : vector<512x1xf32>
    %get3A_30 = arith.constant 2048 : index
    %get3A_31 = arith.constant 0 : index
    %get3A_32 = vector.load %arg2[%get3A_30, %get3A_31] : memref<8192x256xf32, #tpu.memory_space<vmem>>, vector<2048x256xf32>
    %dot_general3A_33 = arith.constant dense<0.000000e+00> : vector<512x2048xf32>
    %dot_general3A_34 = tpu.matmul %mul3A_7, %get3A_32, %dot_general3A_33 {dimension_numbers = #tpu.dot_dimension_numbers<[1], [1], [0], [0], [0, 0, 1, 0], [], []>, transpose_lhs_hint = false} : vector<512x256xf32>, vector<2048x256xf32>, vector<512x2048xf32> -> vector<512x2048xf32>
    %get3A_35 = arith.constant 0 : index
    %get3A_36 = arith.constant 2048 : index
    %get3A_37 = vector.load %arg3[%get3A_35, %get3A_36] : memref<8x8192xf32, #tpu.memory_space<vmem>>, vector<1x2048xf32>
    %add3A_38 = vector.broadcast %broadcast_in_dim3A : vector<512x1xf32> to vector<512x2048xf32>
    %add3A_39 = vector.broadcast %get3A_37 : vector<1x2048xf32> to vector<512x2048xf32>
    %add3A_40 = arith.addf %add3A_38, %add3A_39 : vector<512x2048xf32>
    %add3A_41 = arith.addf %add3A_40, %dot_general3A_34 : vector<512x2048xf32>
    %reduce_min3A_42 = arith.constant dense<0x7F800000> : vector<512xf32>
    %reduce_min3A_43 = vector.multi_reduction <minimumf>, %add3A_41, %reduce_min3A_42 [1] : vector<512x2048xf32> to vector<512xf32>
    %broadcast_in_dim3A_44 = vector.shape_cast %reduce_min3A_43 : vector<512xf32> to vector<512x1xf32>
    %eq3A_45 = vector.broadcast %broadcast_in_dim3A_44 : vector<512x1xf32> to vector<512x2048xf32>
    %eq3A_46 = arith.cmpf oeq, %add3A_41, %eq3A_45 : vector<512x2048xf32>
    %jit3A_47 = arith.constant 8.192000e+03 : f32
    %broadcast_in_dim3A_48 = vector.broadcast %jit3A_47 : f32 to vector<512x2048xf32>
    %select_n3A_49 = arith.select %eq3A_46, %convert_element_type3A_8, %broadcast_in_dim3A_48 : vector<512x2048xi1>, vector<512x2048xf32>
    %reduce_min3A_50 = arith.constant dense<0x7F800000> : vector<512xf32>
    %reduce_min3A_51 = vector.multi_reduction <minimumf>, %select_n3A_49, %reduce_min3A_50 [1] : vector<512x2048xf32> to vector<512xf32>
    %broadcast_in_dim3A_52 = vector.shape_cast %reduce_min3A_51 : vector<512xf32> to vector<512x1xf32>
    %add3A_53 = arith.constant 2.048000e+03 : f32
    %add3A_54 = vector.broadcast %add3A_53 : f32 to vector<512x1xf32>
    %add3A_55 = arith.addf %broadcast_in_dim3A_52, %add3A_54 : vector<512x1xf32>
    %lt3A = arith.cmpf olt, %broadcast_in_dim3A_44, %broadcast_in_dim3A_20 : vector<512x1xf32>
    %select_n3A_56 = arith.select %lt3A, %add3A_55, %add3A_29 : vector<512x1xi1>, vector<512x1xf32>
    %select_n3A_57 = arith.select %lt3A, %broadcast_in_dim3A_44, %broadcast_in_dim3A_20 : vector<512x1xi1>, vector<512x1xf32>
    %get3A_58 = arith.constant 4096 : index
    %get3A_59 = arith.constant 0 : index
    %get3A_60 = vector.load %arg2[%get3A_58, %get3A_59] : memref<8192x256xf32, #tpu.memory_space<vmem>>, vector<2048x256xf32>
    %dot_general3A_61 = arith.constant dense<0.000000e+00> : vector<512x2048xf32>
    %dot_general3A_62 = tpu.matmul %mul3A_7, %get3A_60, %dot_general3A_61 {dimension_numbers = #tpu.dot_dimension_numbers<[1], [1], [0], [0], [0, 0, 1, 0], [], []>, transpose_lhs_hint = false} : vector<512x256xf32>, vector<2048x256xf32>, vector<512x2048xf32> -> vector<512x2048xf32>
    %get3A_63 = arith.constant 0 : index
    %get3A_64 = arith.constant 4096 : index
    %get3A_65 = vector.load %arg3[%get3A_63, %get3A_64] : memref<8x8192xf32, #tpu.memory_space<vmem>>, vector<1x2048xf32>
    %add3A_66 = vector.broadcast %broadcast_in_dim3A : vector<512x1xf32> to vector<512x2048xf32>
    %add3A_67 = vector.broadcast %get3A_65 : vector<1x2048xf32> to vector<512x2048xf32>
    %add3A_68 = arith.addf %add3A_66, %add3A_67 : vector<512x2048xf32>
    %add3A_69 = arith.addf %add3A_68, %dot_general3A_62 : vector<512x2048xf32>
    %reduce_min3A_70 = arith.constant dense<0x7F800000> : vector<512xf32>
    %reduce_min3A_71 = vector.multi_reduction <minimumf>, %add3A_69, %reduce_min3A_70 [1] : vector<512x2048xf32> to vector<512xf32>
    %broadcast_in_dim3A_72 = vector.shape_cast %reduce_min3A_71 : vector<512xf32> to vector<512x1xf32>
    %eq3A_73 = vector.broadcast %broadcast_in_dim3A_72 : vector<512x1xf32> to vector<512x2048xf32>
    %eq3A_74 = arith.cmpf oeq, %add3A_69, %eq3A_73 : vector<512x2048xf32>
    %jit3A_75 = arith.constant 8.192000e+03 : f32
    %broadcast_in_dim3A_76 = vector.broadcast %jit3A_75 : f32 to vector<512x2048xf32>
    %select_n3A_77 = arith.select %eq3A_74, %convert_element_type3A_8, %broadcast_in_dim3A_76 : vector<512x2048xi1>, vector<512x2048xf32>
    %reduce_min3A_78 = arith.constant dense<0x7F800000> : vector<512xf32>
    %reduce_min3A_79 = vector.multi_reduction <minimumf>, %select_n3A_77, %reduce_min3A_78 [1] : vector<512x2048xf32> to vector<512xf32>
    %broadcast_in_dim3A_80 = vector.shape_cast %reduce_min3A_79 : vector<512xf32> to vector<512x1xf32>
    %add3A_81 = arith.constant 4.096000e+03 : f32
    %add3A_82 = vector.broadcast %add3A_81 : f32 to vector<512x1xf32>
    %add3A_83 = arith.addf %broadcast_in_dim3A_80, %add3A_82 : vector<512x1xf32>
    %lt3A_84 = arith.cmpf olt, %broadcast_in_dim3A_72, %select_n3A_57 : vector<512x1xf32>
    %select_n3A_85 = arith.select %lt3A_84, %add3A_83, %select_n3A_56 : vector<512x1xi1>, vector<512x1xf32>
    %select_n3A_86 = arith.select %lt3A_84, %broadcast_in_dim3A_72, %select_n3A_57 : vector<512x1xi1>, vector<512x1xf32>
    %get3A_87 = arith.constant 6144 : index
    %get3A_88 = arith.constant 0 : index
    %get3A_89 = vector.load %arg2[%get3A_87, %get3A_88] : memref<8192x256xf32, #tpu.memory_space<vmem>>, vector<2048x256xf32>
    %dot_general3A_90 = arith.constant dense<0.000000e+00> : vector<512x2048xf32>
    %dot_general3A_91 = tpu.matmul %mul3A_7, %get3A_89, %dot_general3A_90 {dimension_numbers = #tpu.dot_dimension_numbers<[1], [1], [0], [0], [0, 0, 1, 0], [], []>, transpose_lhs_hint = false} : vector<512x256xf32>, vector<2048x256xf32>, vector<512x2048xf32> -> vector<512x2048xf32>
    %get3A_92 = arith.constant 0 : index
    %get3A_93 = arith.constant 6144 : index
    %get3A_94 = vector.load %arg3[%get3A_92, %get3A_93] : memref<8x8192xf32, #tpu.memory_space<vmem>>, vector<1x2048xf32>
    %add3A_95 = vector.broadcast %broadcast_in_dim3A : vector<512x1xf32> to vector<512x2048xf32>
    %add3A_96 = vector.broadcast %get3A_94 : vector<1x2048xf32> to vector<512x2048xf32>
    %add3A_97 = arith.addf %add3A_95, %add3A_96 : vector<512x2048xf32>
    %add3A_98 = arith.addf %add3A_97, %dot_general3A_91 : vector<512x2048xf32>
    %reduce_min3A_99 = arith.constant dense<0x7F800000> : vector<512xf32>
    %reduce_min3A_100 = vector.multi_reduction <minimumf>, %add3A_98, %reduce_min3A_99 [1] : vector<512x2048xf32> to vector<512xf32>
    %broadcast_in_dim3A_101 = vector.shape_cast %reduce_min3A_100 : vector<512xf32> to vector<512x1xf32>
    %eq3A_102 = vector.broadcast %broadcast_in_dim3A_101 : vector<512x1xf32> to vector<512x2048xf32>
    %eq3A_103 = arith.cmpf oeq, %add3A_98, %eq3A_102 : vector<512x2048xf32>
    %jit3A_104 = arith.constant 8.192000e+03 : f32
    %broadcast_in_dim3A_105 = vector.broadcast %jit3A_104 : f32 to vector<512x2048xf32>
    %select_n3A_106 = arith.select %eq3A_103, %convert_element_type3A_8, %broadcast_in_dim3A_105 : vector<512x2048xi1>, vector<512x2048xf32>
    %reduce_min3A_107 = arith.constant dense<0x7F800000> : vector<512xf32>
    %reduce_min3A_108 = vector.multi_reduction <minimumf>, %select_n3A_106, %reduce_min3A_107 [1] : vector<512x2048xf32> to vector<512xf32>
    %broadcast_in_dim3A_109 = vector.shape_cast %reduce_min3A_108 : vector<512xf32> to vector<512x1xf32>
    %add3A_110 = arith.constant 6.144000e+03 : f32
    %add3A_111 = vector.broadcast %add3A_110 : f32 to vector<512x1xf32>
    %add3A_112 = arith.addf %broadcast_in_dim3A_109, %add3A_111 : vector<512x1xf32>
    %lt3A_113 = arith.cmpf olt, %broadcast_in_dim3A_101, %select_n3A_86 : vector<512x1xf32>
    %select_n3A_114 = arith.select %lt3A_113, %add3A_112, %select_n3A_85 : vector<512x1xi1>, vector<512x1xf32>
    %select_n3A_115 = arith.select %lt3A_113, %broadcast_in_dim3A_101, %select_n3A_86 : vector<512x1xi1>, vector<512x1xf32>
    %squeeze3A = vector.shape_cast %select_n3A_114 : vector<512x1xf32> to vector<512xf32>
    %convert_element_type3A_116 = arith.fptosi %squeeze3A : vector<512xf32> to vector<512xi32>
    %swap3A = arith.constant 0 : index
    %swap3A_117 = vector.load %arg4[%swap3A] : memref<512xi32, #tpu.memory_space<vmem>>, vector<512xi32>
    tpu.vector_store %arg4[%swap3A], %convert_element_type3A_116 {strides = array<i32>} : memref<512xi32, #tpu.memory_space<vmem>>, vector<512xi32>,
    %get3A_118 = arith.constant 0 : index
    %get3A_119 = memref.load %arg6[%get3A_118] : memref<1xf32, #tpu.memory_space<smem>>
    %reduce_sum3A_120 = vector.shape_cast %select_n3A_115 : vector<512x1xf32> to vector<1x512x1xf32>
    %reduce_sum3A_121 = arith.constant dense<0.000000e+00> : vector<1xf32>
    %reduce_sum3A_122 = vector.multi_reduction <add>, %reduce_sum3A_120, %reduce_sum3A_121 [1, 2] : vector<1x512x1xf32> to vector<1xf32>
    %reduce_sum3A_123 = vector.shape_cast %reduce_sum3A_122 : vector<1xf32> to vector<1x1x1xf32>
    %reduce_sum3A_124 = vector.extract %reduce_sum3A_123[0, 0, 0] : f32 from vector<1x1x1xf32>
    %add3A_125 = arith.addf %get3A_119, %reduce_sum3A_124 : f32
    %swap3A_126 = arith.constant 0 : index
    %swap3A_127 = memref.load %arg6[%swap3A_126] : memref<1xf32, #tpu.memory_space<smem>>
    memref.store %add3A_125, %arg6[%swap3A_126] : memref<1xf32, #tpu.memory_space<smem>>
    %eq3A_128 = arith.constant 5 : i32
    %eq3A_129 = arith.cmpi eq, %arg0, %eq3A_128 : i32
    %convert_element_type3A_130 = arith.extui %eq3A_129 : i1 to i32
    %cond3A_131 = arith.constant 0 : i32
    %cond3A_132 = arith.cmpi ne, %convert_element_type3A_130, %cond3A_131 : i32
    scf.if %cond3A_132 {
      %get3A_133 = arith.constant 0 : index
      %get3A_134 = memref.load %arg6[%get3A_133] : memref<1xf32, #tpu.memory_space<smem>>
      %swap3A_135 = arith.constant 0 : index
      %swap3A_136 = memref.load %arg5[%swap3A_135] : memref<1xf32, #tpu.memory_space<smem>>
      memref.store %get3A_134, %arg5[%swap3A_135] : memref<1xf32, #tpu.memory_space<smem>>
    } else {
    }
    return
  }
  func.func @transform_0(%arg0: i32) -> (i32, i32) {
    %c0_i32 = arith.constant 0 : i32
    %c0_i32_0 = arith.constant 0 : i32
    return %arg0, %c0_i32 : i32, i32
  }
  func.func @transform_1(%arg0: i32) -> (i32, i32) {
    %c0_i32 = arith.constant 0 : i32
    %c0_i32_0 = arith.constant 0 : i32
    %c0_i32_1 = arith.constant 0 : i32
    return %c0_i32, %c0_i32_0 : i32, i32
  }
  func.func @transform_2(%arg0: i32) -> (i32, i32) {
    %c0_i32 = arith.constant 0 : i32
    %c0_i32_0 = arith.constant 0 : i32
    %c0_i32_1 = arith.constant 0 : i32
    return %c0_i32, %c0_i32_0 : i32, i32
  }
  func.func @transform_3(%arg0: i32) -> i32 {
    %c0_i32 = arith.constant 0 : i32
    return %arg0 : i32
  }
  func.func @transform_4(%arg0: i32) -> i32 {
    %c0_i32 = arith.constant 0 : i32
    %c0_i32_0 = arith.constant 0 : i32
    return %c0_i32 : i32
  }
}

</mosaic_0001>

<sc_bundles>
// kernel: kernel.15.cloned.1.call-start
scs
__scs_entry_jumppad:
0x0: {  	(pc) =	sbr.rel $0x88, $3  }
0x1: {  	(tag) =	ssettag $0x0;
	lr =	simm.s32 $0x1  }
0x2: {  	[smem:$0x3F9F] =	sst lr;
	_ =	strace $0xD0000000  }
0x3: {  	_ = 	snop  }
0x4: {  	_ = 	snop  }
0x5: {  	_ = 	snop  }
0x6: {  	_ = 	snop  }
0x7: {  	_ = 	snop  }
__scs_overlays_trampoline_lowered:
0x8: {  	[smem:$0x3FAE] =	sst s0  }
0x9: {  	[smem:$0x3FAF] =	sst s1  }
0xa: {  	[smem:$0x3FB0] =	sst s2  }
0xb: {  	[smem:$0x3FB1] =	sst s3  }
0xc: {  	[smem:$0x3FB2] =	sst s4  }
0xd: {  	[smem:$0x3FB3] =	sst s5  }
0xe: {  	[smem:$0x3FB4] =	sst s6  }
0xf: {  	[smem:$0x3FB5] =	sst s7  }
0x10: {  	[smem:$0x3FB6] =	sst s8  }
0x11: {  	[smem:$0x3FB7] =	sst s9;
	s0 =	simm.s32 @!p0 $0x0  }
0x12: {  	s1 =	sld [smem:$0x3F9D];
	s0 =	simm.s32 @p0 $0x1  }
0x13: {  	[smem:$0x3FB8] =	sst s0;
	s0 =	simm.s32 @!p1 $0x0  }
0x14: {  	s2 =	sld [smem:$0x3F9C];
	s0 =	simm.s32 @p1 $0x1  }
0x15: {  	[smem:$0x3FB9] =	sst s0;
	s0 =	simm.s32 @!p2 $0x0  }
0x16: {  	s3 =	sld [smem:$0x3FDB];
	s0 =	simm.s32 @p2 $0x1  }
0x17: {  	s4 =	simm.s32 $0x1BF5;
	[smem:$0x3FBB] =	sst s0  }
0x18: {  	s0 =	sld [smem:$0x3F9E];
	_ =	swait.ge [sflag:s4], $0x0  }
0x19: {  	s7 =	sld [smem:$0x3F9F]  }
0x1a: {  	s8 =	sadd.s32 $0xFFFFE003, lr  }
0x1b: {  	s9 =	sadd.s32 $0xFFFFFEF7, lr;
	s5 =	simm.s32 $0xFFFFFFFF;
	p2 =	slt.u32 s8, $0xFFFFF086  }
0x1c: {  	p1 =	slt.u32 s9, $0xF7A;
	s5 =	simm.s32 @!p2 $0x0  }
0x1d: {  	s5 =	simm.s32 @p1 $0x1;
	p0 =	seq.s32 s7, s2  }
0x1e: {  	s7 =	smul.u32 @!p0 $0xF7A, s2;
	p2 =	seq.s32 @!p0 s5, $0x0  }
0x1f: {  	s9 =	smul.u32 $0xF7A, s1;
	s8 =	simm.s32 @!p0 $0x1BF5;
	p2 =	por !p2, p0  }
0x20: {  	[sflag:s8] =	ssyncset.s32 @!p0 $0xFFFFF086;
	s6 =	sadd.s32 @!p0 s3, s7;
	s7 =	simm.s32 @!p0 $0x108  }
0x21: {  	s3 =	sadd.s32 s3, s9;
	s6 =	sadd.s32 @!p0 $0x88, s6;
	s7 =	simm.s32 @p2 $0x1082  }
0x22: {  	[simem:s7], [sflag:s8] =	dma.local @!p0 [hbm:s6], $0xF7A  }
0x23: {  	s9 =	sor.u32 $0xD0000000, s2;
	s6 =	simm.s32 $0x108;
	_ =	swait.ge @!p0 [sflag:s8], $0x0  }
0x24: {  	s3 =	sadd.s32 $0x88, s3;
	s6 =	simm.s32 @!p1 $0x1082;
	[sflag:s4] =	ssyncset.s32 $0xFFFFF086  }
0x25: {  	[simem:s6], [sflag:s4] =	dma.local [hbm:s3], $0xF7A  }
0x26: {  	[smem:$0x3F9F] =	sst s1;
	(tag) =	ssettag s2;
	_ =	strace s9  }
0x27: {  	s1 =	sld [smem:$0x3FAF]  }
0x28: {  	s2 =	sld [smem:$0x3FB0]  }
0x29: {  	s4 =	sld [smem:$0x3FB2]  }
0x2a: {  	p0 =	seq.s32 s5, $0x0;
	s5 =	sld [smem:$0x3FB3]  }
0x2b: {  	s6 =	sld [smem:$0x3FB4]  }
0x2c: {  	s7 =	sld [smem:$0x3FB5]  }
0x2d: {  	s3 =	simm.s32 $0x108;
	s8 =	sld [smem:$0x3FB6]  }
0x2e: {  	s3 =	simm.s32 @!p0 $0x1082;
	s9 =	sld [smem:$0x3FB7]  }
0x2f: {  	lr =	sadd.s32 s0, s3;
	s0 =	sld [smem:$0x3FAE]  }
0x30: {  	s3 =	sld [smem:$0x3FB1]  }
0x31: {  	[smem:$0x3FBA] =	sst s10  }
0x32: {  	s10 =	sld [smem:$0x3FB8];
	_ =	sdelay $0x3  }
0x33: {  	p0 =	seq.s32 s10, $0x1;
	s10 =	sld [smem:$0x3FBA];
	_ =	sdelay $0x3  }
0x34: {  	[smem:$0x3FBA] =	sst s10  }
0x35: {  	s10 =	sld [smem:$0x3FB9];
	_ =	sdelay $0x3  }
0x36: {  	p1 =	seq.s32 s10, $0x1;
	s10 =	sld [smem:$0x3FBA];
	_ =	sdelay $0x3  }
0x37: {  	[smem:$0x3FBA] =	sst s10  }
0x38: {  	s10 =	sld [smem:$0x3FBB]  }
0x39: {  	_ = 	snop;
	(pc) =	sbr.ind lr, $3  }
0x3a: {  	_ = 	snop  }
0x3b: {  	_ = 	snop  }
0x3c: {  	p2 =	seq.s32 s10, $0x1;
	s10 =	sld [smem:$0x3FBA]  }
0x3d: {  	_ =	shalt  }
0x3e: {  	_ =	shalt  }
0x3f: {  	_ =	shalt  }
0x40: {  	_ =	shalt  }
0x41: {  	_ =	shalt  }
0x42: {  	_ =	shalt  }
0x43: {  	_ =	shalt  }
0x44: {  	_ =	shalt  }
0x45: {  	_ =	shalt  }
0x46: {  	_ =	shalt  }
0x47: {  	_ =	shalt  }
0x48: {  	_ =	shalt  }
0x49: {  	_ =	shalt  }
0x4a: {  	_ =	shalt  }
0x4b: {  	_ =	shalt  }
0x4c: {  	_ =	shalt  }
0x4d: {  	_ =	shalt  }
0x4e: {  	_ =	shalt  }
0x4f: {  	_ =	shalt  }
0x50: {  	_ =	shalt  }
0x51: {  	_ =	shalt  }
0x52: {  	_ =	shalt  }
0x53: {  	_ =	shalt  }
0x54: {  	_ =	shalt  }
0x55: {  	_ =	shalt  }
0x56: {  	_ =	shalt  }
0x57: {  	_ =	shalt  }
0x58: {  	_ =	shalt  }
0x59: {  	_ =	shalt  }
0x5a: {  	_ =	shalt  }
0x5b: {  	_ =	shalt  }
0x5c: {  	_ =	shalt  }
0x5d: {  	_ =	shalt  }
0x5e: {  	_ =	shalt  }
0x5f: {  	_ =	shalt  }
0x60: {  	_ =	shalt  }
0x61: {  	_ =	shalt  }
0x62: {  	_ =	shalt  }
0x63: {  	_ =	shalt  }
0x64: {  	_ =	shalt  }
0x65: {  	_ =	shalt  }
0x66: {  	_ =	shalt  }
0x67: {  	_ =	shalt  }
0x68: {  	_ =	shalt  }
0x69: {  	_ =	shalt  }
0x6a: {  	_ =	shalt  }
0x6b: {  	_ =	shalt  }
0x6c: {  	_ =	shalt  }
0x6d: {  	_ =	shalt  }
0x6e: {  	_ =	shalt  }
0x6f: {  	_ =	shalt  }
0x70: {  	_ =	shalt  }
0x71: {  	_ =	shalt  }
0x72: {  	_ =	shalt  }
0x73: {  	_ =	shalt  }
0x74: {  	_ =	shalt  }
0x75: {  	_ =	shalt  }
0x76: {  	_ =	shalt  }
0x77: {  	_ =	shalt  }
0x78: {  	_ =	shalt  }
0x79: {  	_ =	shalt  }
0x7a: {  	_ =	shalt  }
0x7b: {  	_ =	shalt  }
0x7c: {  	_ =	shalt  }
0x7d: {  	_ =	shalt  }
0x7e: {  	_ =	shalt  }
0x7f: {  	_ =	shalt  }
0x80: {  	_ =	shalt  }
0x81: {  	_ =	shalt  }
0x82: {  	_ =	shalt  }
0x83: {  	_ =	shalt  }
0x84: {  	_ =	shalt  }
0x85: {  	_ =	shalt  }
0x86: {  	_ =	shalt  }
0x87: {  	_ =	shalt  }
.Lfunc_end0:
.L_simem_size_0:
called_computation_lowered:
.L_overlay_start_0:
0x88: {  	s2 =	sld [smem:$0x3FD9]  }
0x89: {  	s3 =	sld [smem:$0x3FFE];
	_ =	sdelay $0x1  }
0x8a: {  	s1 =	srdreg.scid  }
0x8b: {  	s0 =	sand.u32 $0x1, s1  }
0x8c: {  	s17 =	sshll.u32 s0, $0xA;
	s2 =	sadd.s32 s3, s2  }
0x8d: {  	s2 =	sadd.s32 s2, s17  }
0x8e: {  	[smem:$0x3FC6] =	sst s2  }
0x8f: {  	_ = 	snop  }
0x90: {  	s2 =	sld [smem:$0x3FC8];
	(tm) =	ssettm $0x1  }
0x91: {  	s18 =	sld [smem:$0x3FFB];
	_ =	sdelay $0x3  }
0x92: {  	_ =	strace s18  }
0x93: {  	s3 =	sld [smem:$0x3FFC];
	_ =	sdelay $0x3  }
0x94: {  	_ =	strace s3  }
0x95: {  	s3 =	sld [smem:$0x3FFD];
	_ =	sdelay $0x3  }
0x96: {  	_ =	strace s3  }
0x97: {  	_ =	strace $0x8FFFFFFF  }
0x98: {  	s19 =	sld [smem:$0x3FDB];
	_ =	sdelay $0x1  }
0x99: {  	s4 =	simm.s32 $_scs_section_size  }
0x9a: {  	s5 =	simm.s32 $_size__tile_overlayer_lowered;
	s6 =	simm.s32 $_tile_overlayer_lowered  }
0x9b: {  	s22 =	simm.s32 $0x1BFF;
	s21 =	sshll.u32 s6, $0x1;
	s3 =	sadd.s32 s4, s19  }
0x9c: {  	s7 =	simm.s32 $0x0;
	s20 =	sshll.u32 s5, $0x1;
	s5 =	sadd.s32 s21, s3  }
0x9d: {  	[timem:s7], [sflag:s22] =	dma.local [hbm:s5], s20  }
0x9e: {  	_ =	swait.ge [sflag:s22], s20  }
0x9f: {  	s4 =	ssub.s32 $0x0, s20;
	[sflag:s22] =	ssyncset.done $0x0  }
0xa0: {  	[sflag:s22] =	ssyncadd.s32 s4;
	_ =	sdelay $0x1  }
0xa1: {  	s23 =	simm.s32 $0x1B8B  }
0xa2: {  	_ =	swait.ge [sflag:s23], $0x1  }
0xa3: {  	[sflag:s23] =	ssyncset.done $0x0  }
0xa4: {  	s25 =	simm.s32 $0x1B8E;
	s24 =	sld [smem:$0x3FFE];
	[sflag:s23] =	ssyncadd.s32 $0xFFFFFFFF  }
0xa5: {  	s26 =	simm.s32 $execute0_lowered;
	[smem:$0x3FD2] =	sst s25  }
0xa6: {  	s5 =	sshll.u32 s26, $0x1;
	_ =	strace $0x80000046;
	[dreg:$0x1] =	wrdreg $0xFFFFFFFF  }
0xa7: {  	s28 =	simm.s32 $_size_execute0_lowered;
	s3 =	sadd.s32 s3, s5;
	[dreg:$0x0] =	wrdreg $0x0  }
0xa8: {  	s5 =	sshll.u32 s28, $0x1;
	[dreg:$0x2] =	wrdreg s3  }
0xa9: {  	[dreg:$0x3] =	wrdreg s5  }
0xaa: {  	[dreg:$0x4] =	wrdreg $0xC0  }
0xab: {  	_ =	task [dreg:s7], $0x5FFFF  }
0xac: {  	[dreg:$0x1] =	wrdreg $0xFFFFFFFF  }
0xad: {  	[dreg:$0x0] =	wrdreg $0x60  }
0xae: {  	[dreg:$0x2] =	wrdreg s24  }
0xaf: {  	[dreg:$0x3] =	wrdreg s2  }
0xb0: {  	[dreg:$0x4] =	wrdreg $0x9  }
0xb1: {  	_ =	task.clear_ibuf [dreg:s7], $0x5FFFF;
	_ =	strace $0x90000046  }
0xb2: {  	s29 =	simm.s32 $0x9;
	_ =	strace $0x80000048  }
0xb3: {  	_ =	swait.ge [sflag:s29], $0x1  }
0xb4: {  	[sflag:s29] =	ssyncadd.s32 $0xFFFFFFFF  }
0xb5: {  	_ =	strace $0x90000048  }
0xb6: {  	_ =	sfence  }
0xb7: {  	s30 =	sld [smem:$0x0];
	_ =	sdelay $0x2  }
0xb8: {  	s31 =	sshll.u32 s1, $0xD;
	s1 =	sshrl.u32 s1, $0x2  }
0xb9: {  	s3 =	sand.u32 $0x4000, s31;
	s1 =	sadd.s32 s1, s30  }
0xba: {  	s0 =	sor.u32 s3, s0;
	s1 =	sshll.u32 s1, $0x11  }
0xbb: {  	s0 =	sor.u32 s1, s0  }
0xbc: {  	s0 =	sadd.s32 $0x8F2B, s0  }
0xbd: {  	[sflag:s0] =	ssyncadd.remote.s32 $0x1  }
0xbe: {  	_ =	sfence.sel $0xFFFF  }
0xbf: {  	[dreg:$0x0] =	wrdreg $0xFFFFFFFF;
	(pc) =	sbr.abs _section_cstart, $3  }
0xc0: {  	[dreg:$0x1] =	wrdreg $0xFFFFFFFF  }
0xc1: {  	_ =	task.clear_ibuf [dreg:s7], $0x2FFFF;
	_ =	strace $0x9FFFFFFF  }
0xc2: {  	(tm) =	ssettm $0x7FFFFFFF  }
0xc3: {  	_ =	shalt  }
tec
execute0_lowered:
.L_overlay_start_1:
0x0: {  	(tag) =	ssettag $0x1  }
0x1: {  	s1 =	srdreg.scid;
	s4 =	rddreg [dreg:$0x0]  }
0x2: {  	s0 =	stileid.u32;
	s2 =	rddreg [dreg:$0x1];
	s3 =	simm.s32 $0x0  }
0x3: {  	s9 =	simm.s32 $0x880;
	s10 =	simm.s32 $0x1080;
	s11 =	simm.s32 $0x1880  }
0x4: {  	s12 =	simm.s32 $0x2080;
	s13 =	simm.s32 $0x2880;
	s14 =	simm.s32 $0x3080  }
0x5: {  	s15 =	simm.s32 $0x3880;
	s5 =	sand.u32 $0x1, s1;
	s30 =	sshll.u32 s0, $0x1  }
0x6: {  	s16 =	simm.s32 $0x4080;
	s17 =	simm.s32 $0x4880;
	s6 =	sor.u32 s5, s30  }
0x7: {  	s18 =	simm.s32 $0x5080;
	s19 =	simm.s32 $0x5880;
	s7 =	smul.u32 $0xC, s6  }
0x8: {  	s20 =	simm.s32 $0x1;
	[smem:$0x7FF] =	sst s3;
	s6 =	smul.u32 $0xC00, s6  }
0x9: {  	s1 =	rddreg [dreg:$0x2];
	_ =	strace $0x80000047;
	s5 =	ssub.s32 $0x2, s5  }
0xa: {  	v2 =	vlaneseq.u32;
	s31 =	sshrl.u32 s5, $0x1;
	s7 =	sadd.s32 s7, s4;
	s6 =	sadd.s32 s6, s4  }
0xb: {  	vm0 =	vmmov $0xffff;
	v1 =	vshrl.u32 v2, $0x3;
	s8 =	ssub.s32 s5, s31;
	s4 =	sadd.s32 $0x1F200, s7;
	s5 =	sadd.s32 $0x1F400, s6  }
0xc: {  	v0 =	vand.u32 $0x7, v2;
	v2 =	vor.u32 $0x8, v2;
	v1 =	vmul.u32 $0x8, v1;
	s6 =	smax.u32 s8, $0x1;
	s7 =	simm.s32 $0x2;
	s8 =	simm.s32 $0x80  }
.LBB2_1:
0xd: {  	[tilespmem:s3], [sflag:$0x2] =	stream.linear.gather [hbm4b:s4+s3], $0x60, $0x38;
	[tilespmem:$0x6080] =	vst v63  }
0xe: {  	_ =	swait.ge [sflag:s7], $0x60  }
0xf: {  	[sflag:s7] =	ssyncset.done $0x0  }
0x10: {  	[sflag:s7] =	ssyncadd.s32 $0xFFFFFFA0  }
0x11: {  	v3 =	vld [tilespmem:$0x0];
	_ =	sdelay $0x4  }
0x12: {  	v4 =	vshll.u32 v3, $0x1  }
0x13: {  	v3 =	vand.u32 $0x7, v3;
	v4 =	vand.u32 $0xFFFFFFF0, v4  }
0x14: {  	v3 =	vor.u32 v3, v4  }
0x15: {  	v4 =	vperm.xlane v3, v0;
	_ =	sdelay $0x1  }
0x16: {  	v3 =	vperm.xlane v3, v2;
	v4 =	vadd.s32 v1, v4;
	_ =	sdelay $0x1  }
0x17: {  	v3 =	vadd.s32 v1, v3;
	_ =	sdelay $0x2  }
0x18: {  	[tilespmem:s8], [sflag:$0x1] =	stream.indirect_vreg.gather [hbm4b:s2+s3], $0x80, v4, vm0, $0xb8;
	[tilespmem:$0x6080] =	vst v63  }
0x19: {  	_ = 	snop  }
0x1a: {  	[tilespmem:s9], [sflag:$0x1] =	stream.indirect_vreg.gather [hbm4b:s2+s3], $0x80, v3, vm0, $0xb8;
	[tilespmem:$0x6080] =	vst v63  }
0x1b: {  	v3 =	vld [tilespmem:$0x10];
	_ =	sdelay $0x4  }
0x1c: {  	v59 =	vshll.u32 v3, $0x1  }
0x1d: {  	v3 =	vand.u32 $0x7, v3;
	v4 =	vand.u32 $0xFFFFFFF0, v59  }
0x1e: {  	v3 =	vor.u32 v3, v4  }
0x1f: {  	v4 =	vperm.xlane v3, v0;
	_ =	sdelay $0x1  }
0x20: {  	v3 =	vperm.xlane v3, v2;
	v4 =	vadd.s32 v1, v4;
	_ =	sdelay $0x1  }
0x21: {  	v3 =	vadd.s32 v1, v3;
	_ =	sdelay $0x2  }
0x22: {  	[tilespmem:s10], [sflag:$0x1] =	stream.indirect_vreg.gather [hbm4b:s2+s3], $0x80, v4, vm0, $0xb8;
	[tilespmem:$0x6080] =	vst v63  }
0x23: {  	_ = 	snop  }
0x24: {  	[tilespmem:s11], [sflag:$0x1] =	stream.indirect_vreg.gather [hbm4b:s2+s3], $0x80, v3, vm0, $0xb8;
	[tilespmem:$0x6080] =	vst v63  }
0x25: {  	v3 =	vld [tilespmem:$0x20];
	_ =	sdelay $0x4  }
0x26: {  	v60 =	vshll.u32 v3, $0x1  }
0x27: {  	v3 =	vand.u32 $0x7, v3;
	v4 =	vand.u32 $0xFFFFFFF0, v60  }
0x28: {  	v3 =	vor.u32 v3, v4  }
0x29: {  	v4 =	vperm.xlane v3, v0;
	_ =	sdelay $0x1  }
0x2a: {  	v3 =	vperm.xlane v3, v2;
	v4 =	vadd.s32 v1, v4;
	_ =	sdelay $0x1  }
0x2b: {  	v3 =	vadd.s32 v1, v3;
	_ =	sdelay $0x2  }
0x2c: {  	[tilespmem:s12], [sflag:$0x1] =	stream.indirect_vreg.gather [hbm4b:s2+s3], $0x80, v4, vm0, $0xb8;
	[tilespmem:$0x6080] =	vst v63  }
0x2d: {  	_ = 	snop  }
0x2e: {  	[tilespmem:s13], [sflag:$0x1] =	stream.indirect_vreg.gather [hbm4b:s2+s3], $0x80, v3, vm0, $0xb8;
	[tilespmem:$0x6080] =	vst v63  }
0x2f: {  	v3 =	vld [tilespmem:$0x30];
	_ =	sdelay $0x4  }
0x30: {  	v61 =	vshll.u32 v3, $0x1  }
0x31: {  	v3 =	vand.u32 $0x7, v3;
	v4 =	vand.u32 $0xFFFFFFF0, v61  }
0x32: {  	v3 =	vor.u32 v3, v4  }
0x33: {  	v4 =	vperm.xlane v3, v0;
	_ =	sdelay $0x1  }
0x34: {  	v3 =	vperm.xlane v3, v2;
	v4 =	vadd.s32 v1, v4;
	_ =	sdelay $0x1  }
0x35: {  	v3 =	vadd.s32 v1, v3;
	_ =	sdelay $0x2  }
0x36: {  	[tilespmem:s14], [sflag:$0x1] =	stream.indirect_vreg.gather [hbm4b:s2+s3], $0x80, v4, vm0, $0xb8;
	[tilespmem:$0x6080] =	vst v63  }
0x37: {  	_ = 	snop  }
0x38: {  	[tilespmem:s15], [sflag:$0x1] =	stream.indirect_vreg.gather [hbm4b:s2+s3], $0x80, v3, vm0, $0xb8;
	[tilespmem:$0x6080] =	vst v63  }
0x39: {  	v3 =	vld [tilespmem:$0x40];
	_ =	sdelay $0x4  }
0x3a: {  	v62 =	vshll.u32 v3, $0x1  }
0x3b: {  	v3 =	vand.u32 $0x7, v3;
	v4 =	vand.u32 $0xFFFFFFF0, v62  }
0x3c: {  	v3 =	vor.u32 v3, v4  }
0x3d: {  	v4 =	vperm.xlane v3, v0;
	_ =	sdelay $0x1  }
0x3e: {  	v3 =	vperm.xlane v3, v2;
	v4 =	vadd.s32 v1, v4;
	_ =	sdelay $0x1  }
0x3f: {  	v3 =	vadd.s32 v1, v3;
	_ =	sdelay $0x2  }
0x40: {  	[tilespmem:s16], [sflag:$0x1] =	stream.indirect_vreg.gather [hbm4b:s2+s3], $0x80, v4, vm0, $0xb8;
	[tilespmem:$0x6080] =	vst v63  }
0x41: {  	_ = 	snop  }
0x42: {  	[tilespmem:s17], [sflag:$0x1] =	stream.indirect_vreg.gather [hbm4b:s2+s3], $0x80, v3, vm0, $0xb8;
	[tilespmem:$0x6080] =	vst v63  }
0x43: {  	v3 =	vld [tilespmem:$0x50];
	_ =	sdelay $0x4  }
0x44: {  	v63 =	vshll.u32 v3, $0x1  }
0x45: {  	v3 =	vand.u32 $0x7, v3;
	v4 =	vand.u32 $0xFFFFFFF0, v63  }
0x46: {  	v3 =	vor.u32 v3, v4  }
0x47: {  	v4 =	vperm.xlane v3, v0;
	_ =	sdelay $0x1  }
0x48: {  	v3 =	vperm.xlane v3, v2;
	v4 =	vadd.s32 v1, v4;
	_ =	sdelay $0x1  }
0x49: {  	v3 =	vadd.s32 v1, v3;
	_ =	sdelay $0x2  }
0x4a: {  	[tilespmem:s18], [sflag:$0x1] =	stream.indirect_vreg.gather [hbm4b:s2+s3], $0x80, v4, vm0, $0xb8;
	[tilespmem:$0x6080] =	vst v63  }
0x4b: {  	_ = 	snop  }
0x4c: {  	[tilespmem:s19], [sflag:$0x1] =	stream.indirect_vreg.gather [hbm4b:s2+s3], $0x80, v3, vm0, $0xb8;
	[tilespmem:$0x6080] =	vst v63  }
0x4d: {  	_ =	swait.ge [sflag:s20], $0x6000  }
0x4e: {  	p0 =	sne.s32 s6, $0x1;
	[sflag:s20] =	ssyncset.done $0x0  }
.Ltmp0:
0x4f: {  	[sflag:s20] =	ssyncadd.s32 $0xFFFFA000;
	(pc) =	sbr.rel @p0 .LBB2_1-.Ltmp0, $4  }
0x50: {  	[hbm4b:s5+s3] =	stream.linear.scatter [tilespmem:s8], [sflag:$0x2], $0x6000, $0x38;
	[tilespmem:$0x6080] =	vst v63  }
0x51: {  	_ =	swait.ge [sflag:s7], $0x6000  }
0x52: {  	[sflag:s7] =	ssyncset.done $0x0  }
0x53: {  	s6 =	sadd.s32 $0xFFFFFFFF, s6;
	[sflag:s7] =	ssyncadd.s32 $0xFFFFA000  }
0x54: {  	_ =	sfence.sel $0x180000  }
0x55: {  	[bflag:$0x0] =	sbarrier.arrive $0xFFFF  }
0x56: {  	p0 =	sne.s32 s0, $0x0;
	_ =	strace $0x90000047  }
0x57: {  	s0 =	sadd.s32 @!p0 $0x100000, s1;
	[bflag:$0x2] =	sbarrier.arrive $0xFFFF  }
0x58: {  	[sflag:s0] =	ssyncadd.tile.s32 @!p0 $0x1;
	_ =	shalt  }
.Lfunc_end2:
_tile_overlayer_lowered:
.L_overlay_start_2:
0x59: {  	(tag) =	ssettag $0x2  }
0x5a: {  	s0 =	rddreg [dreg:$0x0];
	s2 =	stileid.u32  }
0x5b: {  	s1 =	rddreg [dreg:$0x1];
	p0 =	sne.s32 s2, $0x0  }
0x5c: {  	s3 =	rddreg [dreg:$0x2];
	[bflag:$0x3] =	sbarrier.arrive $0xFFFF;
	s2 =	simm.s32 @!p0 $0x1C02  }
0x5d: {  	[timem:s3], [sflag:s2] =	dma.local @!p0 [hbm:s0], s1  }
0x5e: {  	s0 =	simm.s32 @!p0 $0x2  }
0x5f: {  	_ =	swait.ge @!p0 [sflag:s0], s1  }
0x60: {  	s1 =	ssub.s32 @!p0 $0x0, s1;
	[sflag:s0] =	ssyncset.done @!p0 $0x0  }
0x61: {  	[sflag:s0] =	ssyncadd.s32 @!p0 s1  }
0x62: {  	[bflag:$0x3] =	sbarrier.arrive $0xFFFF  }
0x63: {  	_ =	shalt  }

// kernel: kernel.18.cloned.1.call-start
scs
__scs_entry_jumppad:
0x0: {  	(pc) =	sbr.rel $0x88, $3  }
0x1: {  	(tag) =	ssettag $0x0;
	lr =	simm.s32 $0x1  }
0x2: {  	[smem:$0x3F9F] =	sst lr;
	_ =	strace $0xD0000000  }
0x3: {  	_ = 	snop  }
0x4: {  	_ = 	snop  }
0x5: {  	_ = 	snop  }
0x6: {  	_ = 	snop  }
0x7: {  	_ = 	snop  }
__scs_overlays_trampoline_lowered:
0x8: {  	[smem:$0x3FAE] =	sst s0  }
0x9: {  	[smem:$0x3FAF] =	sst s1  }
0xa: {  	[smem:$0x3FB0] =	sst s2  }
0xb: {  	[smem:$0x3FB1] =	sst s3  }
0xc: {  	[smem:$0x3FB2] =	sst s4  }
0xd: {  	[smem:$0x3FB3] =	sst s5  }
0xe: {  	[smem:$0x3FB4] =	sst s6  }
0xf: {  	[smem:$0x3FB5] =	sst s7  }
0x10: {  	[smem:$0x3FB6] =	sst s8  }
0x11: {  	[smem:$0x3FB7] =	sst s9;
	s0 =	simm.s32 @!p0 $0x0  }
0x12: {  	s1 =	sld [smem:$0x3F9D];
	s0 =	simm.s32 @p0 $0x1  }
0x13: {  	[smem:$0x3FB8] =	sst s0;
	s0 =	simm.s32 @!p1 $0x0  }
0x14: {  	s2 =	sld [smem:$0x3F9C];
	s0 =	simm.s32 @p1 $0x1  }
0x15: {  	[smem:$0x3FB9] =	sst s0;
	s0 =	simm.s32 @!p2 $0x0  }
0x16: {  	s3 =	sld [smem:$0x3FDB];
	s0 =	simm.s32 @p2 $0x1  }
0x17: {  	s4 =	simm.s32 $0x1BF5;
	[smem:$0x3FBB] =	sst s0  }
0x18: {  	s0 =	sld [smem:$0x3F9E];
	_ =	swait.ge [sflag:s4], $0x0  }
0x19: {  	s7 =	sld [smem:$0x3F9F]  }
0x1a: {  	s8 =	sadd.s32 $0xFFFFE003, lr  }
0x1b: {  	s9 =	sadd.s32 $0xFFFFFEF7, lr;
	s5 =	simm.s32 $0xFFFFFFFF;
	p2 =	slt.u32 s8, $0xFFFFF086  }
0x1c: {  	p1 =	slt.u32 s9, $0xF7A;
	s5 =	simm.s32 @!p2 $0x0  }
0x1d: {  	s5 =	simm.s32 @p1 $0x1;
	p0 =	seq.s32 s7, s2  }
0x1e: {  	s7 =	smul.u32 @!p0 $0xF7A, s2;
	p2 =	seq.s32 @!p0 s5, $0x0  }
0x1f: {  	s9 =	smul.u32 $0xF7A, s1;
	s8 =	simm.s32 @!p0 $0x1BF5;
	p2 =	por !p2, p0  }
0x20: {  	[sflag:s8] =	ssyncset.s32 @!p0 $0xFFFFF086;
	s6 =	sadd.s32 @!p0 s3, s7;
	s7 =	simm.s32 @!p0 $0x108  }
0x21: {  	s3 =	sadd.s32 s3, s9;
	s6 =	sadd.s32 @!p0 $0x88, s6;
	s7 =	simm.s32 @p2 $0x1082  }
0x22: {  	[simem:s7], [sflag:s8] =	dma.local @!p0 [hbm:s6], $0xF7A  }
0x23: {  	s9 =	sor.u32 $0xD0000000, s2;
	s6 =	simm.s32 $0x108;
	_ =	swait.ge @!p0 [sflag:s8], $0x0  }
0x24: {  	s3 =	sadd.s32 $0x88, s3;
	s6 =	simm.s32 @!p1 $0x1082;
	[sflag:s4] =	ssyncset.s32 $0xFFFFF086  }
0x25: {  	[simem:s6], [sflag:s4] =	dma.local [hbm:s3], $0xF7A  }
0x26: {  	[smem:$0x3F9F] =	sst s1;
	(tag) =	ssettag s2;
	_ =	strace s9  }
0x27: {  	s1 =	sld [smem:$0x3FAF]  }
0x28: {  	s2 =	sld [smem:$0x3FB0]  }
0x29: {  	s4 =	sld [smem:$0x3FB2]  }
0x2a: {  	p0 =	seq.s32 s5, $0x0;
	s5 =	sld [smem:$0x3FB3]  }
0x2b: {  	s6 =	sld [smem:$0x3FB4]  }
0x2c: {  	s7 =	sld [smem:$0x3FB5]  }
0x2d: {  	s3 =	simm.s32 $0x108;
	s8 =	sld [smem:$0x3FB6]  }
0x2e: {  	s3 =	simm.s32 @!p0 $0x1082;
	s9 =	sld [smem:$0x3FB7]  }
0x2f: {  	lr =	sadd.s32 s0, s3;
	s0 =	sld [smem:$0x3FAE]  }
0x30: {  	s3 =	sld [smem:$0x3FB1]  }
0x31: {  	[smem:$0x3FBA] =	sst s10  }
0x32: {  	s10 =	sld [smem:$0x3FB8];
	_ =	sdelay $0x3  }
0x33: {  	p0 =	seq.s32 s10, $0x1;
	s10 =	sld [smem:$0x3FBA];
	_ =	sdelay $0x3  }
0x34: {  	[smem:$0x3FBA] =	sst s10  }
0x35: {  	s10 =	sld [smem:$0x3FB9];
	_ =	sdelay $0x3  }
0x36: {  	p1 =	seq.s32 s10, $0x1;
	s10 =	sld [smem:$0x3FBA];
	_ =	sdelay $0x3  }
0x37: {  	[smem:$0x3FBA] =	sst s10  }
0x38: {  	s10 =	sld [smem:$0x3FBB]  }
0x39: {  	_ = 	snop;
	(pc) =	sbr.ind lr, $3  }
0x3a: {  	_ = 	snop  }
0x3b: {  	_ = 	snop  }
0x3c: {  	p2 =	seq.s32 s10, $0x1;
	s10 =	sld [smem:$0x3FBA]  }
0x3d: {  	_ =	shalt  }
0x3e: {  	_ =	shalt  }
0x3f: {  	_ =	shalt  }
0x40: {  	_ =	shalt  }
0x41: {  	_ =	shalt  }
0x42: {  	_ =	shalt  }
0x43: {  	_ =	shalt  }
0x44: {  	_ =	shalt  }
0x45: {  	_ =	shalt  }
0x46: {  	_ =	shalt  }
0x47: {  	_ =	shalt  }
0x48: {  	_ =	shalt  }
0x49: {  	_ =	shalt  }
0x4a: {  	_ =	shalt  }
0x4b: {  	_ =	shalt  }
0x4c: {  	_ =	shalt  }
0x4d: {  	_ =	shalt  }
0x4e: {  	_ =	shalt  }
0x4f: {  	_ =	shalt  }
0x50: {  	_ =	shalt  }
0x51: {  	_ =	shalt  }
0x52: {  	_ =	shalt  }
0x53: {  	_ =	shalt  }
0x54: {  	_ =	shalt  }
0x55: {  	_ =	shalt  }
0x56: {  	_ =	shalt  }
0x57: {  	_ =	shalt  }
0x58: {  	_ =	shalt  }
0x59: {  	_ =	shalt  }
0x5a: {  	_ =	shalt  }
0x5b: {  	_ =	shalt  }
0x5c: {  	_ =	shalt  }
0x5d: {  	_ =	shalt  }
0x5e: {  	_ =	shalt  }
0x5f: {  	_ =	shalt  }
0x60: {  	_ =	shalt  }
0x61: {  	_ =	shalt  }
0x62: {  	_ =	shalt  }
0x63: {  	_ =	shalt  }
0x64: {  	_ =	shalt  }
0x65: {  	_ =	shalt  }
0x66: {  	_ =	shalt  }
0x67: {  	_ =	shalt  }
0x68: {  	_ =	shalt  }
0x69: {  	_ =	shalt  }
0x6a: {  	_ =	shalt  }
0x6b: {  	_ =	shalt  }
0x6c: {  	_ =	shalt  }
0x6d: {  	_ =	shalt  }
0x6e: {  	_ =	shalt  }
0x6f: {  	_ =	shalt  }
0x70: {  	_ =	shalt  }
0x71: {  	_ =	shalt  }
0x72: {  	_ =	shalt  }
0x73: {  	_ =	shalt  }
0x74: {  	_ =	shalt  }
0x75: {  	_ =	shalt  }
0x76: {  	_ =	shalt  }
0x77: {  	_ =	shalt  }
0x78: {  	_ =	shalt  }
0x79: {  	_ =	shalt  }
0x7a: {  	_ =	shalt  }
0x7b: {  	_ =	shalt  }
0x7c: {  	_ =	shalt  }
0x7d: {  	_ =	shalt  }
0x7e: {  	_ =	shalt  }
0x7f: {  	_ =	shalt  }
0x80: {  	_ =	shalt  }
0x81: {  	_ =	shalt  }
0x82: {  	_ =	shalt  }
0x83: {  	_ =	shalt  }
0x84: {  	_ =	shalt  }
0x85: {  	_ =	shalt  }
0x86: {  	_ =	shalt  }
0x87: {  	_ =	shalt  }
.Lfunc_end0:
.L_simem_size_0:
called_computation.1_lowered:
.L_overlay_start_0:
0x88: {  	s2 =	sld [smem:$0x3FD9]  }
0x89: {  	s3 =	sld [smem:$0x3FFE];
	_ =	sdelay $0x1  }
0x8a: {  	s1 =	srdreg.scid  }
0x8b: {  	s0 =	sand.u32 $0x1, s1  }
0x8c: {  	s17 =	sshll.u32 s0, $0xA;
	s2 =	sadd.s32 s3, s2  }
0x8d: {  	s2 =	sadd.s32 s2, s17  }
0x8e: {  	[smem:$0x3FC6] =	sst s2  }
0x8f: {  	_ = 	snop  }
0x90: {  	s18 =	sld [smem:$0x3FC8];
	(tm) =	ssettm $0x1  }
0x91: {  	s19 =	sld [smem:$0x3FFB];
	_ =	sdelay $0x3  }
0x92: {  	_ =	strace s19  }
0x93: {  	s2 =	sld [smem:$0x3FFC];
	_ =	sdelay $0x3  }
0x94: {  	_ =	strace s2  }
0x95: {  	s2 =	sld [smem:$0x3FFD];
	_ =	sdelay $0x3  }
0x96: {  	_ =	strace s2  }
0x97: {  	_ =	strace $0x8FFFFFFF  }
0x98: {  	s20 =	sld [smem:$0x3FDB];
	_ =	sdelay $0x1  }
0x99: {  	s4 =	simm.s32 $_scs_section_size  }
0x9a: {  	s5 =	simm.s32 $_size__tile_overlayer_lowered;
	s6 =	simm.s32 $_tile_overlayer_lowered  }
0x9b: {  	s7 =	simm.s32 $0x1BFF;
	s21 =	sshll.u32 s6, $0x1;
	s4 =	sadd.s32 s4, s20  }
0x9c: {  	s22 =	simm.s32 $0x0;
	s5 =	sshll.u32 s5, $0x1;
	s6 =	sadd.s32 s21, s4  }
0x9d: {  	[timem:s22], [sflag:s7] =	dma.local [hbm:s6], s5  }
0x9e: {  	_ =	swait.ge [sflag:s7], s5  }
0x9f: {  	s5 =	ssub.s32 $0x0, s5;
	[sflag:s7] =	ssyncset.done $0x0  }
0xa0: {  	[sflag:s7] =	ssyncadd.s32 s5;
	_ =	sdelay $0x1  }
0xa1: {  	s23 =	simm.s32 $0x1B8B  }
0xa2: {  	_ =	swait.ge [sflag:s23], $0x1  }
0xa3: {  	[sflag:s23] =	ssyncset.done $0x0  }
0xa4: {  	[sflag:s23] =	ssyncadd.s32 $0xFFFFFFFF  }
0xa5: {  	s5 =	sld [smem:$0x0]  }
0xa6: {  	s6 =	sand.u32 $0xFFFFFFFE, s1  }
0xa7: {  	p0 =	sne.s32 s1, s6  }
0xa8: {  	s6 =	sshll.u32 @p0 s6, $0xE  }
0xa9: {  	s6 =	sadd.s32 @p0 $0x11B8D, s6;
	s7 =	sshll.u32 @p0 s5, $0x11  }
0xaa: {  	s6 =	sor.u32 @p0 s7, s6  }
0xab: {  	[sflag:s6] =	ssyncadd.remote.s32 @p0 $0x1;
	_ =	sdelay $0x1  }
0xac: {  	s6 =	simm.s32 @p0 $0x1B8D  }
0xad: {  	_ =	swait.eq @p0 [sflag:s6], $0x1  }
0xae: {  	[sflag:s6] =	ssyncadd.s32 @p0 $0xFFFFFFFF  }
0xaf: {  	s7 =	sshll.u32 @!p0 s1, $0xE  }
0xb0: {  	s7 =	sor.u32 @!p0 $0x4000, s7;
	s6 =	simm.s32 @!p0 $0x1B8D  }
0xb1: {  	s5 =	sshll.u32 @!p0 s5, $0x11;
	s7 =	sadd.s32 @!p0 $0x11B8D, s7;
	_ =	swait.eq @!p0 [sflag:s6], $0x1  }
0xb2: {  	s5 =	sor.u32 @!p0 s5, s7;
	[sflag:s6] =	ssyncadd.s32 @!p0 $0xFFFFFFFF  }
0xb3: {  	s25 =	simm.s32 $0x1B8E;
	s24 =	sld [smem:$0x3FFE];
	[sflag:s5] =	ssyncadd.remote.s32 @!p0 $0x1  }
0xb4: {  	s26 =	simm.s32 $execute0_lowered;
	[smem:$0x3FD2] =	sst s25  }
0xb5: {  	s6 =	sshll.u32 s26, $0x1;
	_ =	strace $0x80000049;
	[dreg:$0x1] =	wrdreg $0xFFFFFFFF  }
0xb6: {  	s28 =	simm.s32 $_size_execute0_lowered;
	s4 =	sadd.s32 s4, s6;
	[dreg:$0x0] =	wrdreg $0x0  }
0xb7: {  	s6 =	sshll.u32 s28, $0x1;
	[dreg:$0x2] =	wrdreg s4  }
0xb8: {  	[dreg:$0x3] =	wrdreg s6  }
0xb9: {  	[dreg:$0x4] =	wrdreg $0xC0  }
0xba: {  	_ =	task [dreg:s22], $0x5FFFF  }
0xbb: {  	[dreg:$0x1] =	wrdreg $0xFFFFFFFF  }
0xbc: {  	[dreg:$0x0] =	wrdreg $0x60  }
0xbd: {  	[dreg:$0x2] =	wrdreg s24  }
0xbe: {  	[dreg:$0x3] =	wrdreg s18  }
0xbf: {  	[dreg:$0x4] =	wrdreg $0xA  }
0xc0: {  	_ =	task.clear_ibuf [dreg:s22], $0x5FFFF;
	_ =	strace $0x90000049  }
0xc1: {  	s29 =	simm.s32 $0xA;
	_ =	strace $0x8000004B  }
0xc2: {  	_ =	swait.ge [sflag:s29], $0x1  }
0xc3: {  	[sflag:s29] =	ssyncadd.s32 $0xFFFFFFFF  }
0xc4: {  	_ =	strace $0x9000004B  }
0xc5: {  	_ =	sfence  }
0xc6: {  	s30 =	sld [smem:$0x0];
	_ =	sdelay $0x2  }
0xc7: {  	s31 =	sshll.u32 s1, $0xD;
	s1 =	sshrl.u32 s1, $0x2  }
0xc8: {  	s4 =	sand.u32 $0x4000, s31;
	s1 =	sadd.s32 s1, s30  }
0xc9: {  	s0 =	sor.u32 s4, s0;
	s1 =	sshll.u32 s1, $0x11  }
0xca: {  	s0 =	sor.u32 s1, s0  }
0xcb: {  	s0 =	sadd.s32 $0x8F2B, s0  }
0xcc: {  	[sflag:s0] =	ssyncadd.remote.s32 $0x1  }
0xcd: {  	_ =	sfence.sel $0xFFFF  }
0xce: {  	[dreg:$0x0] =	wrdreg $0xFFFFFFFF;
	(pc) =	sbr.abs _section_cstart, $3  }
0xcf: {  	[dreg:$0x1] =	wrdreg $0xFFFFFFFF  }
0xd0: {  	_ =	task.clear_ibuf [dreg:s22], $0x2FFFF;
	_ =	strace $0x9FFFFFFF  }
0xd1: {  	(tm) =	ssettm $0x7FFFFFFF  }
tec
execute0_lowered:
.L_overlay_start_1:
0x0: {  	(tag) =	ssettag $0x1  }
0x1: {  	s1 =	srdreg.scid;
	s4 =	rddreg [dreg:$0x0]  }
0x2: {  	s0 =	stileid.u32;
	s2 =	rddreg [dreg:$0x1];
	s3 =	simm.s32 $0x0  }
0x3: {  	s9 =	simm.s32 $0x880;
	s10 =	simm.s32 $0x1080;
	s11 =	simm.s32 $0x1880  }
0x4: {  	s12 =	simm.s32 $0x2080;
	s13 =	simm.s32 $0x2880;
	s14 =	simm.s32 $0x3080  }
0x5: {  	s15 =	simm.s32 $0x3880;
	s5 =	sand.u32 $0x1, s1;
	s30 =	sshll.u32 s0, $0x1  }
0x6: {  	s16 =	simm.s32 $0x4080;
	s17 =	simm.s32 $0x4880;
	s6 =	sor.u32 s5, s30  }
0x7: {  	s18 =	simm.s32 $0x5080;
	s19 =	simm.s32 $0x5880;
	s7 =	smul.u32 $0xC, s6  }
0x8: {  	s20 =	simm.s32 $0x1;
	[smem:$0x7FF] =	sst s3;
	s6 =	smul.u32 $0xC00, s6  }
0x9: {  	s1 =	rddreg [dreg:$0x2];
	_ =	strace $0x8000004A;
	s5 =	ssub.s32 $0x2, s5  }
0xa: {  	v2 =	vlaneseq.u32;
	s31 =	sshrl.u32 s5, $0x1;
	s7 =	sadd.s32 s7, s4;
	s6 =	sadd.s32 s6, s4  }
0xb: {  	vm0 =	vmmov $0xffff;
	v1 =	vshrl.u32 v2, $0x3;
	s8 =	ssub.s32 s5, s31;
	s4 =	sadd.s32 $0x7200, s7;
	s5 =	sadd.s32 $0x37400, s6  }
0xc: {  	v0 =	vand.u32 $0x7, v2;
	v2 =	vor.u32 $0x8, v2;
	v1 =	vmul.u32 $0x8, v1;
	s6 =	smax.u32 s8, $0x1;
	s7 =	simm.s32 $0x2;
	s8 =	simm.s32 $0x80  }
.LBB2_1:
0xd: {  	[tilespmem:s3], [sflag:$0x2] =	stream.linear.gather [hbm4b:s4+s3], $0x60, $0x38;
	[tilespmem:$0x6080] =	vst v63  }
0xe: {  	_ =	swait.ge [sflag:s7], $0x60  }
0xf: {  	[sflag:s7] =	ssyncset.done $0x0  }
0x10: {  	[sflag:s7] =	ssyncadd.s32 $0xFFFFFFA0  }
0x11: {  	v3 =	vld [tilespmem:$0x0];
	_ =	sdelay $0x4  }
0x12: {  	v4 =	vshll.u32 v3, $0x1  }
0x13: {  	v3 =	vand.u32 $0x7, v3;
	v4 =	vand.u32 $0xFFFFFFF0, v4  }
0x14: {  	v3 =	vor.u32 v3, v4  }
0x15: {  	v4 =	vperm.xlane v3, v0;
	_ =	sdelay $0x1  }
0x16: {  	v3 =	vperm.xlane v3, v2;
	v4 =	vadd.s32 v1, v4;
	_ =	sdelay $0x1  }
0x17: {  	v3 =	vadd.s32 v1, v3;
	_ =	sdelay $0x2  }
0x18: {  	[tilespmem:s8], [sflag:$0x1] =	stream.indirect_vreg.gather [hbm4b:s2+s3], $0x80, v4, vm0, $0xb8;
	[tilespmem:$0x6080] =	vst v63  }
0x19: {  	_ = 	snop  }
0x1a: {  	[tilespmem:s9], [sflag:$0x1] =	stream.indirect_vreg.gather [hbm4b:s2+s3], $0x80, v3, vm0, $0xb8;
	[tilespmem:$0x6080] =	vst v63  }
0x1b: {  	v3 =	vld [tilespmem:$0x10];
	_ =	sdelay $0x4  }
0x1c: {  	v59 =	vshll.u32 v3, $0x1  }
0x1d: {  	v3 =	vand.u32 $0x7, v3;
	v4 =	vand.u32 $0xFFFFFFF0, v59  }
0x1e: {  	v3 =	vor.u32 v3, v4  }
0x1f: {  	v4 =	vperm.xlane v3, v0;
	_ =	sdelay $0x1  }
0x20: {  	v3 =	vperm.xlane v3, v2;
	v4 =	vadd.s32 v1, v4;
	_ =	sdelay $0x1  }
0x21: {  	v3 =	vadd.s32 v1, v3;
	_ =	sdelay $0x2  }
0x22: {  	[tilespmem:s10], [sflag:$0x1] =	stream.indirect_vreg.gather [hbm4b:s2+s3], $0x80, v4, vm0, $0xb8;
	[tilespmem:$0x6080] =	vst v63  }
0x23: {  	_ = 	snop  }
0x24: {  	[tilespmem:s11], [sflag:$0x1] =	stream.indirect_vreg.gather [hbm4b:s2+s3], $0x80, v3, vm0, $0xb8;
	[tilespmem:$0x6080] =	vst v63  }
0x25: {  	v3 =	vld [tilespmem:$0x20];
	_ =	sdelay $0x4  }
0x26: {  	v60 =	vshll.u32 v3, $0x1  }
0x27: {  	v3 =	vand.u32 $0x7, v3;
	v4 =	vand.u32 $0xFFFFFFF0, v60  }
0x28: {  	v3 =	vor.u32 v3, v4  }
0x29: {  	v4 =	vperm.xlane v3, v0;
	_ =	sdelay $0x1  }
0x2a: {  	v3 =	vperm.xlane v3, v2;
	v4 =	vadd.s32 v1, v4;
	_ =	sdelay $0x1  }
0x2b: {  	v3 =	vadd.s32 v1, v3;
	_ =	sdelay $0x2  }
0x2c: {  	[tilespmem:s12], [sflag:$0x1] =	stream.indirect_vreg.gather [hbm4b:s2+s3], $0x80, v4, vm0, $0xb8;
	[tilespmem:$0x6080] =	vst v63  }
0x2d: {  	_ = 	snop  }
0x2e: {  	[tilespmem:s13], [sflag:$0x1] =	stream.indirect_vreg.gather [hbm4b:s2+s3], $0x80, v3, vm0, $0xb8;
	[tilespmem:$0x6080] =	vst v63  }
0x2f: {  	v3 =	vld [tilespmem:$0x30];
	_ =	sdelay $0x4  }
0x30: {  	v61 =	vshll.u32 v3, $0x1  }
0x31: {  	v3 =	vand.u32 $0x7, v3;
	v4 =	vand.u32 $0xFFFFFFF0, v61  }
0x32: {  	v3 =	vor.u32 v3, v4  }
0x33: {  	v4 =	vperm.xlane v3, v0;
	_ =	sdelay $0x1  }
0x34: {  	v3 =	vperm.xlane v3, v2;
	v4 =	vadd.s32 v1, v4;
	_ =	sdelay $0x1  }
0x35: {  	v3 =	vadd.s32 v1, v3;
	_ =	sdelay $0x2  }
0x36: {  	[tilespmem:s14], [sflag:$0x1] =	stream.indirect_vreg.gather [hbm4b:s2+s3], $0x80, v4, vm0, $0xb8;
	[tilespmem:$0x6080] =	vst v63  }
0x37: {  	_ = 	snop  }
0x38: {  	[tilespmem:s15], [sflag:$0x1] =	stream.indirect_vreg.gather [hbm4b:s2+s3], $0x80, v3, vm0, $0xb8;
	[tilespmem:$0x6080] =	vst v63  }
0x39: {  	v3 =	vld [tilespmem:$0x40];
	_ =	sdelay $0x4  }
0x3a: {  	v62 =	vshll.u32 v3, $0x1  }
0x3b: {  	v3 =	vand.u32 $0x7, v3;
	v4 =	vand.u32 $0xFFFFFFF0, v62  }
0x3c: {  	v3 =	vor.u32 v3, v4  }
0x3d: {  	v4 =	vperm.xlane v3, v0;
	_ =	sdelay $0x1  }
0x3e: {  	v3 =	vperm.xlane v3, v2;
	v4 =	vadd.s32 v1, v4;
	_ =	sdelay $0x1  }
0x3f: {  	v3 =	vadd.s32 v1, v3;
	_ =	sdelay $0x2  }
0x40: {  	[tilespmem:s16], [sflag:$0x1] =	stream.indirect_vreg.gather [hbm4b:s2+s3], $0x80, v4, vm0, $0xb8;
	[tilespmem:$0x6080] =	vst v63  }
0x41: {  	_ = 	snop  }
0x42: {  	[tilespmem:s17], [sflag:$0x1] =	stream.indirect_vreg.gather [hbm4b:s2+s3], $0x80, v3, vm0, $0xb8;
	[tilespmem:$0x6080] =	vst v63  }
0x43: {  	v3 =	vld [tilespmem:$0x50];
	_ =	sdelay $0x4  }
0x44: {  	v63 =	vshll.u32 v3, $0x1  }
0x45: {  	v3 =	vand.u32 $0x7, v3;
	v4 =	vand.u32 $0xFFFFFFF0, v63  }
0x46: {  	v3 =	vor.u32 v3, v4  }
0x47: {  	v4 =	vperm.xlane v3, v0;
	_ =	sdelay $0x1  }
0x48: {  	v3 =	vperm.xlane v3, v2;
	v4 =	vadd.s32 v1, v4;
	_ =	sdelay $0x1  }
0x49: {  	v3 =	vadd.s32 v1, v3;
	_ =	sdelay $0x2  }
0x4a: {  	[tilespmem:s18], [sflag:$0x1] =	stream.indirect_vreg.gather [hbm4b:s2+s3], $0x80, v4, vm0, $0xb8;
	[tilespmem:$0x6080] =	vst v63  }
0x4b: {  	_ = 	snop  }
0x4c: {  	[tilespmem:s19], [sflag:$0x1] =	stream.indirect_vreg.gather [hbm4b:s2+s3], $0x80, v3, vm0, $0xb8;
	[tilespmem:$0x6080] =	vst v63  }
0x4d: {  	_ =	swait.ge [sflag:s20], $0x6000  }
0x4e: {  	p0 =	sne.s32 s6, $0x1;
	[sflag:s20] =	ssyncset.done $0x0  }
.Ltmp0:
0x4f: {  	[sflag:s20] =	ssyncadd.s32 $0xFFFFA000;
	(pc) =	sbr.rel @p0 .LBB2_1-.Ltmp0, $4  }
0x50: {  	[hbm4b:s5+s3] =	stream.linear.scatter [tilespmem:s8], [sflag:$0x2], $0x6000, $0x38;
	[tilespmem:$0x6080] =	vst v63  }
0x51: {  	_ =	swait.ge [sflag:s7], $0x6000  }
0x52: {  	[sflag:s7] =	ssyncset.done $0x0  }
0x53: {  	s6 =	sadd.s32 $0xFFFFFFFF, s6;
	[sflag:s7] =	ssyncadd.s32 $0xFFFFA000  }
0x54: {  	_ =	sfence.sel $0x180000  }
0x55: {  	[bflag:$0x0] =	sbarrier.arrive $0xFFFF  }
0x56: {  	p0 =	sne.s32 s0, $0x0;
	_ =	strace $0x9000004A  }
0x57: {  	s0 =	sadd.s32 @!p0 $0x100000, s1;
	[bflag:$0x2] =	sbarrier.arrive $0xFFFF  }
0x58: {  	[sflag:s0] =	ssyncadd.tile.s32 @!p0 $0x1;
	_ =	shalt  }
.Lfunc_end2:
_tile_overlayer_lowered:
.L_overlay_start_2:
0x59: {  	(tag) =	ssettag $0x2  }
0x5a: {  	s0 =	rddreg [dreg:$0x0];
	s2 =	stileid.u32  }
0x5b: {  	s1 =	rddreg [dreg:$0x1];
	p0 =	sne.s32 s2, $0x0  }
0x5c: {  	s3 =	rddreg [dreg:$0x2];
	[bflag:$0x3] =	sbarrier.arrive $0xFFFF;
	s2 =	simm.s32 @!p0 $0x1C02  }
0x5d: {  	[timem:s3], [sflag:s2] =	dma.local @!p0 [hbm:s0], s1  }
0x5e: {  	s0 =	simm.s32 @!p0 $0x2  }
0x5f: {  	_ =	swait.ge @!p0 [sflag:s0], s1  }
0x60: {  	s1 =	ssub.s32 @!p0 $0x0, s1;
	[sflag:s0] =	ssyncset.done @!p0 $0x0  }
0x61: {  	[sflag:s0] =	ssyncadd.s32 @!p0 s1  }
0x62: {  	[bflag:$0x3] =	sbarrier.arrive $0xFFFF  }
0x63: {  	_ =	shalt  }

// kernel: kernel.21.cloned.1.call-start
scs
__scs_entry_jumppad:
0x0: {  	(pc) =	sbr.rel $0x88, $3  }
0x1: {  	(tag) =	ssettag $0x0;
	lr =	simm.s32 $0x1  }
0x2: {  	[smem:$0x3F9F] =	sst lr;
	_ =	strace $0xD0000000  }
0x3: {  	_ = 	snop  }
0x4: {  	_ = 	snop  }
0x5: {  	_ = 	snop  }
0x6: {  	_ = 	snop  }
0x7: {  	_ = 	snop  }
__scs_overlays_trampoline_lowered:
0x8: {  	[smem:$0x3FAE] =	sst s0  }
0x9: {  	[smem:$0x3FAF] =	sst s1  }
0xa: {  	[smem:$0x3FB0] =	sst s2  }
0xb: {  	[smem:$0x3FB1] =	sst s3  }
0xc: {  	[smem:$0x3FB2] =	sst s4  }
0xd: {  	[smem:$0x3FB3] =	sst s5  }
0xe: {  	[smem:$0x3FB4] =	sst s6  }
0xf: {  	[smem:$0x3FB5] =	sst s7  }
0x10: {  	[smem:$0x3FB6] =	sst s8  }
0x11: {  	[smem:$0x3FB7] =	sst s9;
	s0 =	simm.s32 @!p0 $0x0  }
0x12: {  	s1 =	sld [smem:$0x3F9D];
	s0 =	simm.s32 @p0 $0x1  }
0x13: {  	[smem:$0x3FB8] =	sst s0;
	s0 =	simm.s32 @!p1 $0x0  }
0x14: {  	s2 =	sld [smem:$0x3F9C];
	s0 =	simm.s32 @p1 $0x1  }
0x15: {  	[smem:$0x3FB9] =	sst s0;
	s0 =	simm.s32 @!p2 $0x0  }
0x16: {  	s3 =	sld [smem:$0x3FDB];
	s0 =	simm.s32 @p2 $0x1  }
0x17: {  	s4 =	simm.s32 $0x1BF5;
	[smem:$0x3FBB] =	sst s0  }
0x18: {  	s0 =	sld [smem:$0x3F9E];
	_ =	swait.ge [sflag:s4], $0x0  }
0x19: {  	s7 =	sld [smem:$0x3F9F]  }
0x1a: {  	s8 =	sadd.s32 $0xFFFFE003, lr  }
0x1b: {  	s9 =	sadd.s32 $0xFFFFFEF7, lr;
	s5 =	simm.s32 $0xFFFFFFFF;
	p2 =	slt.u32 s8, $0xFFFFF086  }
0x1c: {  	p1 =	slt.u32 s9, $0xF7A;
	s5 =	simm.s32 @!p2 $0x0  }
0x1d: {  	s5 =	simm.s32 @p1 $0x1;
	p0 =	seq.s32 s7, s2  }
0x1e: {  	s7 =	smul.u32 @!p0 $0xF7A, s2;
	p2 =	seq.s32 @!p0 s5, $0x0  }
0x1f: {  	s9 =	smul.u32 $0xF7A, s1;
	s8 =	simm.s32 @!p0 $0x1BF5;
	p2 =	por !p2, p0  }
0x20: {  	[sflag:s8] =	ssyncset.s32 @!p0 $0xFFFFF086;
	s6 =	sadd.s32 @!p0 s3, s7;
	s7 =	simm.s32 @!p0 $0x108  }
0x21: {  	s3 =	sadd.s32 s3, s9;
	s6 =	sadd.s32 @!p0 $0x88, s6;
	s7 =	simm.s32 @p2 $0x1082  }
0x22: {  	[simem:s7], [sflag:s8] =	dma.local @!p0 [hbm:s6], $0xF7A  }
0x23: {  	s9 =	sor.u32 $0xD0000000, s2;
	s6 =	simm.s32 $0x108;
	_ =	swait.ge @!p0 [sflag:s8], $0x0  }
0x24: {  	s3 =	sadd.s32 $0x88, s3;
	s6 =	simm.s32 @!p1 $0x1082;
	[sflag:s4] =	ssyncset.s32 $0xFFFFF086  }
0x25: {  	[simem:s6], [sflag:s4] =	dma.local [hbm:s3], $0xF7A  }
0x26: {  	[smem:$0x3F9F] =	sst s1;
	(tag) =	ssettag s2;
	_ =	strace s9  }
0x27: {  	s1 =	sld [smem:$0x3FAF]  }
0x28: {  	s2 =	sld [smem:$0x3FB0]  }
0x29: {  	s4 =	sld [smem:$0x3FB2]  }
0x2a: {  	p0 =	seq.s32 s5, $0x0;
	s5 =	sld [smem:$0x3FB3]  }
0x2b: {  	s6 =	sld [smem:$0x3FB4]  }
0x2c: {  	s7 =	sld [smem:$0x3FB5]  }
0x2d: {  	s3 =	simm.s32 $0x108;
	s8 =	sld [smem:$0x3FB6]  }
0x2e: {  	s3 =	simm.s32 @!p0 $0x1082;
	s9 =	sld [smem:$0x3FB7]  }
0x2f: {  	lr =	sadd.s32 s0, s3;
	s0 =	sld [smem:$0x3FAE]  }
0x30: {  	s3 =	sld [smem:$0x3FB1]  }
0x31: {  	[smem:$0x3FBA] =	sst s10  }
0x32: {  	s10 =	sld [smem:$0x3FB8];
	_ =	sdelay $0x3  }
0x33: {  	p0 =	seq.s32 s10, $0x1;
	s10 =	sld [smem:$0x3FBA];
	_ =	sdelay $0x3  }
0x34: {  	[smem:$0x3FBA] =	sst s10  }
0x35: {  	s10 =	sld [smem:$0x3FB9];
	_ =	sdelay $0x3  }
0x36: {  	p1 =	seq.s32 s10, $0x1;
	s10 =	sld [smem:$0x3FBA];
	_ =	sdelay $0x3  }
0x37: {  	[smem:$0x3FBA] =	sst s10  }
0x38: {  	s10 =	sld [smem:$0x3FBB]  }
0x39: {  	_ = 	snop;
	(pc) =	sbr.ind lr, $3  }
0x3a: {  	_ = 	snop  }
0x3b: {  	_ = 	snop  }
0x3c: {  	p2 =	seq.s32 s10, $0x1;
	s10 =	sld [smem:$0x3FBA]  }
0x3d: {  	_ =	shalt  }
0x3e: {  	_ =	shalt  }
0x3f: {  	_ =	shalt  }
0x40: {  	_ =	shalt  }
0x41: {  	_ =	shalt  }
0x42: {  	_ =	shalt  }
0x43: {  	_ =	shalt  }
0x44: {  	_ =	shalt  }
0x45: {  	_ =	shalt  }
0x46: {  	_ =	shalt  }
0x47: {  	_ =	shalt  }
0x48: {  	_ =	shalt  }
0x49: {  	_ =	shalt  }
0x4a: {  	_ =	shalt  }
0x4b: {  	_ =	shalt  }
0x4c: {  	_ =	shalt  }
0x4d: {  	_ =	shalt  }
0x4e: {  	_ =	shalt  }
0x4f: {  	_ =	shalt  }
0x50: {  	_ =	shalt  }
0x51: {  	_ =	shalt  }
0x52: {  	_ =	shalt  }
0x53: {  	_ =	shalt  }
0x54: {  	_ =	shalt  }
0x55: {  	_ =	shalt  }
0x56: {  	_ =	shalt  }
0x57: {  	_ =	shalt  }
0x58: {  	_ =	shalt  }
0x59: {  	_ =	shalt  }
0x5a: {  	_ =	shalt  }
0x5b: {  	_ =	shalt  }
0x5c: {  	_ =	shalt  }
0x5d: {  	_ =	shalt  }
0x5e: {  	_ =	shalt  }
0x5f: {  	_ =	shalt  }
0x60: {  	_ =	shalt  }
0x61: {  	_ =	shalt  }
0x62: {  	_ =	shalt  }
0x63: {  	_ =	shalt  }
0x64: {  	_ =	shalt  }
0x65: {  	_ =	shalt  }
0x66: {  	_ =	shalt  }
0x67: {  	_ =	shalt  }
0x68: {  	_ =	shalt  }
0x69: {  	_ =	shalt  }
0x6a: {  	_ =	shalt  }
0x6b: {  	_ =	shalt  }
0x6c: {  	_ =	shalt  }
0x6d: {  	_ =	shalt  }
0x6e: {  	_ =	shalt  }
0x6f: {  	_ =	shalt  }
0x70: {  	_ =	shalt  }
0x71: {  	_ =	shalt  }
0x72: {  	_ =	shalt  }
0x73: {  	_ =	shalt  }
0x74: {  	_ =	shalt  }
0x75: {  	_ =	shalt  }
0x76: {  	_ =	shalt  }
0x77: {  	_ =	shalt  }
0x78: {  	_ =	shalt  }
0x79: {  	_ =	shalt  }
0x7a: {  	_ =	shalt  }
0x7b: {  	_ =	shalt  }
0x7c: {  	_ =	shalt  }
0x7d: {  	_ =	shalt  }
0x7e: {  	_ =	shalt  }
0x7f: {  	_ =	shalt  }
0x80: {  	_ =	shalt  }
0x81: {  	_ =	shalt  }
0x82: {  	_ =	shalt  }
0x83: {  	_ =	shalt  }
0x84: {  	_ =	shalt  }
0x85: {  	_ =	shalt  }
0x86: {  	_ =	shalt  }
0x87: {  	_ =	shalt  }
.Lfunc_end0:
.L_simem_size_0:
called_computation.2_lowered:
.L_overlay_start_0:
0x88: {  	s2 =	sld [smem:$0x3FD9]  }
0x89: {  	s3 =	sld [smem:$0x3FFE];
	_ =	sdelay $0x1  }
0x8a: {  	s1 =	srdreg.scid  }
0x8b: {  	s0 =	sand.u32 $0x1, s1  }
0x8c: {  	s17 =	sshll.u32 s0, $0xA;
	s2 =	sadd.s32 s3, s2  }
0x8d: {  	s2 =	sadd.s32 s2, s17  }
0x8e: {  	[smem:$0x3FC6] =	sst s2  }
0x8f: {  	_ = 	snop  }
0x90: {  	s18 =	sld [smem:$0x3FC8];
	(tm) =	ssettm $0x1  }
0x91: {  	s19 =	sld [smem:$0x3FFB];
	_ =	sdelay $0x3  }
0x92: {  	_ =	strace s19  }
0x93: {  	s2 =	sld [smem:$0x3FFC];
	_ =	sdelay $0x3  }
0x94: {  	_ =	strace s2  }
0x95: {  	s2 =	sld [smem:$0x3FFD];
	_ =	sdelay $0x3  }
0x96: {  	_ =	strace s2  }
0x97: {  	_ =	strace $0x8FFFFFFF  }
0x98: {  	s20 =	sld [smem:$0x3FDB];
	_ =	sdelay $0x1  }
0x99: {  	s4 =	simm.s32 $_scs_section_size  }
0x9a: {  	s5 =	simm.s32 $_size__tile_overlayer_lowered;
	s6 =	simm.s32 $_tile_overlayer_lowered  }
0x9b: {  	s7 =	simm.s32 $0x1BFF;
	s21 =	sshll.u32 s6, $0x1;
	s4 =	sadd.s32 s4, s20  }
0x9c: {  	s22 =	simm.s32 $0x0;
	s5 =	sshll.u32 s5, $0x1;
	s6 =	sadd.s32 s21, s4  }
0x9d: {  	[timem:s22], [sflag:s7] =	dma.local [hbm:s6], s5  }
0x9e: {  	_ =	swait.ge [sflag:s7], s5  }
0x9f: {  	s5 =	ssub.s32 $0x0, s5;
	[sflag:s7] =	ssyncset.done $0x0  }
0xa0: {  	[sflag:s7] =	ssyncadd.s32 s5;
	_ =	sdelay $0x1  }
0xa1: {  	s23 =	simm.s32 $0x1B8B  }
0xa2: {  	_ =	swait.ge [sflag:s23], $0x1  }
0xa3: {  	[sflag:s23] =	ssyncset.done $0x0  }
0xa4: {  	[sflag:s23] =	ssyncadd.s32 $0xFFFFFFFF  }
0xa5: {  	s5 =	sld [smem:$0x0]  }
0xa6: {  	s6 =	sand.u32 $0xFFFFFFFE, s1  }
0xa7: {  	p0 =	sne.s32 s1, s6  }
0xa8: {  	s6 =	sshll.u32 @p0 s6, $0xE  }
0xa9: {  	s6 =	sadd.s32 @p0 $0x11B8D, s6;
	s7 =	sshll.u32 @p0 s5, $0x11  }
0xaa: {  	s6 =	sor.u32 @p0 s7, s6  }
0xab: {  	[sflag:s6] =	ssyncadd.remote.s32 @p0 $0x1;
	_ =	sdelay $0x1  }
0xac: {  	s6 =	simm.s32 @p0 $0x1B8D  }
0xad: {  	_ =	swait.eq @p0 [sflag:s6], $0x1  }
0xae: {  	[sflag:s6] =	ssyncadd.s32 @p0 $0xFFFFFFFF  }
0xaf: {  	s7 =	sshll.u32 @!p0 s1, $0xE  }
0xb0: {  	s7 =	sor.u32 @!p0 $0x4000, s7;
	s6 =	simm.s32 @!p0 $0x1B8D  }
0xb1: {  	s5 =	sshll.u32 @!p0 s5, $0x11;
	s7 =	sadd.s32 @!p0 $0x11B8D, s7;
	_ =	swait.eq @!p0 [sflag:s6], $0x1  }
0xb2: {  	s5 =	sor.u32 @!p0 s5, s7;
	[sflag:s6] =	ssyncadd.s32 @!p0 $0xFFFFFFFF  }
0xb3: {  	s25 =	simm.s32 $0x1B8E;
	s24 =	sld [smem:$0x3FFE];
	[sflag:s5] =	ssyncadd.remote.s32 @!p0 $0x1  }
0xb4: {  	s26 =	simm.s32 $execute0_lowered;
	[smem:$0x3FD2] =	sst s25  }
0xb5: {  	s6 =	sshll.u32 s26, $0x1;
	_ =	strace $0x8000004C;
	[dreg:$0x1] =	wrdreg $0xFFFFFFFF  }
0xb6: {  	s28 =	simm.s32 $_size_execute0_lowered;
	s4 =	sadd.s32 s4, s6;
	[dreg:$0x0] =	wrdreg $0x0  }
0xb7: {  	s6 =	sshll.u32 s28, $0x1;
	[dreg:$0x2] =	wrdreg s4  }
0xb8: {  	[dreg:$0x3] =	wrdreg s6  }
0xb9: {  	[dreg:$0x4] =	wrdreg $0xC0  }
0xba: {  	_ =	task [dreg:s22], $0x5FFFF  }
0xbb: {  	[dreg:$0x1] =	wrdreg $0xFFFFFFFF  }
0xbc: {  	[dreg:$0x0] =	wrdreg $0x60  }
0xbd: {  	[dreg:$0x2] =	wrdreg s24  }
0xbe: {  	[dreg:$0x3] =	wrdreg s18  }
0xbf: {  	[dreg:$0x4] =	wrdreg $0xB  }
0xc0: {  	_ =	task.clear_ibuf [dreg:s22], $0x5FFFF;
	_ =	strace $0x9000004C  }
0xc1: {  	s29 =	simm.s32 $0xB;
	_ =	strace $0x8000004E  }
0xc2: {  	_ =	swait.ge [sflag:s29], $0x1  }
0xc3: {  	[sflag:s29] =	ssyncadd.s32 $0xFFFFFFFF  }
0xc4: {  	_ =	strace $0x9000004E  }
0xc5: {  	_ =	sfence  }
0xc6: {  	s30 =	sld [smem:$0x0];
	_ =	sdelay $0x2  }
0xc7: {  	s31 =	sshll.u32 s1, $0xD;
	s1 =	sshrl.u32 s1, $0x2  }
0xc8: {  	s4 =	sand.u32 $0x4000, s31;
	s1 =	sadd.s32 s1, s30  }
0xc9: {  	s0 =	sor.u32 s4, s0;
	s1 =	sshll.u32 s1, $0x11  }
0xca: {  	s0 =	sor.u32 s1, s0  }
0xcb: {  	s0 =	sadd.s32 $0x8F2B, s0  }
0xcc: {  	[sflag:s0] =	ssyncadd.remote.s32 $0x1  }
0xcd: {  	_ =	sfence.sel $0xFFFF  }
0xce: {  	[dreg:$0x0] =	wrdreg $0xFFFFFFFF;
	(pc) =	sbr.abs _section_cstart, $3  }
0xcf: {  	[dreg:$0x1] =	wrdreg $0xFFFFFFFF  }
0xd0: {  	_ =	task.clear_ibuf [dreg:s22], $0x2FFFF;
	_ =	strace $0x9FFFFFFF  }
0xd1: {  	(tm) =	ssettm $0x7FFFFFFF  }
tec
execute0_lowered:
.L_overlay_start_1:
0x0: {  	(tag) =	ssettag $0x1  }
0x1: {  	s1 =	srdreg.scid;
	s4 =	rddreg [dreg:$0x0]  }
0x2: {  	s0 =	stileid.u32;
	s2 =	rddreg [dreg:$0x1];
	s3 =	simm.s32 $0x0  }
0x3: {  	s9 =	simm.s32 $0x880;
	s10 =	simm.s32 $0x1080;
	s11 =	simm.s32 $0x1880  }
0x4: {  	s12 =	simm.s32 $0x2080;
	s13 =	simm.s32 $0x2880;
	s14 =	simm.s32 $0x3080  }
0x5: {  	s15 =	simm.s32 $0x3880;
	s5 =	sand.u32 $0x1, s1;
	s30 =	sshll.u32 s0, $0x1  }
0x6: {  	s16 =	simm.s32 $0x4080;
	s17 =	simm.s32 $0x4880;
	s6 =	sor.u32 s5, s30  }
0x7: {  	s18 =	simm.s32 $0x5080;
	s19 =	simm.s32 $0x5880;
	s7 =	smul.u32 $0xC, s6  }
0x8: {  	s20 =	simm.s32 $0x1;
	[smem:$0x7FF] =	sst s3;
	s6 =	smul.u32 $0xC00, s6  }
0x9: {  	s1 =	rddreg [dreg:$0x2];
	_ =	strace $0x8000004D;
	s5 =	ssub.s32 $0x2, s5  }
0xa: {  	v2 =	vlaneseq.u32;
	s31 =	sshrl.u32 s5, $0x1;
	s7 =	sadd.s32 s7, s4;
	s6 =	sadd.s32 s6, s4  }
0xb: {  	vm0 =	vmmov $0xffff;
	v1 =	vshrl.u32 v2, $0x3;
	s8 =	ssub.s32 s5, s31;
	s4 =	sadd.s32 $0x7600, s7;
	s5 =	sadd.s32 $0x4F400, s6  }
0xc: {  	v0 =	vand.u32 $0x7, v2;
	v2 =	vor.u32 $0x8, v2;
	v1 =	vmul.u32 $0x8, v1;
	s6 =	smax.u32 s8, $0x1;
	s7 =	simm.s32 $0x2;
	s8 =	simm.s32 $0x80  }
.LBB2_1:
0xd: {  	[tilespmem:s3], [sflag:$0x2] =	stream.linear.gather [hbm4b:s4+s3], $0x60, $0x38;
	[tilespmem:$0x6080] =	vst v63  }
0xe: {  	_ =	swait.ge [sflag:s7], $0x60  }
0xf: {  	[sflag:s7] =	ssyncset.done $0x0  }
0x10: {  	[sflag:s7] =	ssyncadd.s32 $0xFFFFFFA0  }
0x11: {  	v3 =	vld [tilespmem:$0x0];
	_ =	sdelay $0x4  }
0x12: {  	v4 =	vshll.u32 v3, $0x1  }
0x13: {  	v3 =	vand.u32 $0x7, v3;
	v4 =	vand.u32 $0xFFFFFFF0, v4  }
0x14: {  	v3 =	vor.u32 v3, v4  }
0x15: {  	v4 =	vperm.xlane v3, v0;
	_ =	sdelay $0x1  }
0x16: {  	v3 =	vperm.xlane v3, v2;
	v4 =	vadd.s32 v1, v4;
	_ =	sdelay $0x1  }
0x17: {  	v3 =	vadd.s32 v1, v3;
	_ =	sdelay $0x2  }
0x18: {  	[tilespmem:s8], [sflag:$0x1] =	stream.indirect_vreg.gather [hbm4b:s2+s3], $0x80, v4, vm0, $0xb8;
	[tilespmem:$0x6080] =	vst v63  }
0x19: {  	_ = 	snop  }
0x1a: {  	[tilespmem:s9], [sflag:$0x1] =	stream.indirect_vreg.gather [hbm4b:s2+s3], $0x80, v3, vm0, $0xb8;
	[tilespmem:$0x6080] =	vst v63  }
0x1b: {  	v3 =	vld [tilespmem:$0x10];
	_ =	sdelay $0x4  }
0x1c: {  	v59 =	vshll.u32 v3, $0x1  }
0x1d: {  	v3 =	vand.u32 $0x7, v3;
	v4 =	vand.u32 $0xFFFFFFF0, v59  }
0x1e: {  	v3 =	vor.u32 v3, v4  }
0x1f: {  	v4 =	vperm.xlane v3, v0;
	_ =	sdelay $0x1  }
0x20: {  	v3 =	vperm.xlane v3, v2;
	v4 =	vadd.s32 v1, v4;
	_ =	sdelay $0x1  }
0x21: {  	v3 =	vadd.s32 v1, v3;
	_ =	sdelay $0x2  }
0x22: {  	[tilespmem:s10], [sflag:$0x1] =	stream.indirect_vreg.gather [hbm4b:s2+s3], $0x80, v4, vm0, $0xb8;
	[tilespmem:$0x6080] =	vst v63  }
0x23: {  	_ = 	snop  }
0x24: {  	[tilespmem:s11], [sflag:$0x1] =	stream.indirect_vreg.gather [hbm4b:s2+s3], $0x80, v3, vm0, $0xb8;
	[tilespmem:$0x6080] =	vst v63  }
0x25: {  	v3 =	vld [tilespmem:$0x20];
	_ =	sdelay $0x4  }
0x26: {  	v60 =	vshll.u32 v3, $0x1  }
0x27: {  	v3 =	vand.u32 $0x7, v3;
	v4 =	vand.u32 $0xFFFFFFF0, v60  }
0x28: {  	v3 =	vor.u32 v3, v4  }
0x29: {  	v4 =	vperm.xlane v3, v0;
	_ =	sdelay $0x1  }
0x2a: {  	v3 =	vperm.xlane v3, v2;
	v4 =	vadd.s32 v1, v4;
	_ =	sdelay $0x1  }
0x2b: {  	v3 =	vadd.s32 v1, v3;
	_ =	sdelay $0x2  }
0x2c: {  	[tilespmem:s12], [sflag:$0x1] =	stream.indirect_vreg.gather [hbm4b:s2+s3], $0x80, v4, vm0, $0xb8;
	[tilespmem:$0x6080] =	vst v63  }
0x2d: {  	_ = 	snop  }
0x2e: {  	[tilespmem:s13], [sflag:$0x1] =	stream.indirect_vreg.gather [hbm4b:s2+s3], $0x80, v3, vm0, $0xb8;
	[tilespmem:$0x6080] =	vst v63  }
0x2f: {  	v3 =	vld [tilespmem:$0x30];
	_ =	sdelay $0x4  }
0x30: {  	v61 =	vshll.u32 v3, $0x1  }
0x31: {  	v3 =	vand.u32 $0x7, v3;
	v4 =	vand.u32 $0xFFFFFFF0, v61  }
0x32: {  	v3 =	vor.u32 v3, v4  }
0x33: {  	v4 =	vperm.xlane v3, v0;
	_ =	sdelay $0x1  }
0x34: {  	v3 =	vperm.xlane v3, v2;
	v4 =	vadd.s32 v1, v4;
	_ =	sdelay $0x1  }
0x35: {  	v3 =	vadd.s32 v1, v3;
	_ =	sdelay $0x2  }
0x36: {  	[tilespmem:s14], [sflag:$0x1] =	stream.indirect_vreg.gather [hbm4b:s2+s3], $0x80, v4, vm0, $0xb8;
	[tilespmem:$0x6080] =	vst v63  }
0x37: {  	_ = 	snop  }
0x38: {  	[tilespmem:s15], [sflag:$0x1] =	stream.indirect_vreg.gather [hbm4b:s2+s3], $0x80, v3, vm0, $0xb8;
	[tilespmem:$0x6080] =	vst v63  }
0x39: {  	v3 =	vld [tilespmem:$0x40];
	_ =	sdelay $0x4  }
0x3a: {  	v62 =	vshll.u32 v3, $0x1  }
0x3b: {  	v3 =	vand.u32 $0x7, v3;
	v4 =	vand.u32 $0xFFFFFFF0, v62  }
0x3c: {  	v3 =	vor.u32 v3, v4  }
0x3d: {  	v4 =	vperm.xlane v3, v0;
	_ =	sdelay $0x1  }
0x3e: {  	v3 =	vperm.xlane v3, v2;
	v4 =	vadd.s32 v1, v4;
	_ =	sdelay $0x1  }
0x3f: {  	v3 =	vadd.s32 v1, v3;
	_ =	sdelay $0x2  }
0x40: {  	[tilespmem:s16], [sflag:$0x1] =	stream.indirect_vreg.gather [hbm4b:s2+s3], $0x80, v4, vm0, $0xb8;
	[tilespmem:$0x6080] =	vst v63  }
0x41: {  	_ = 	snop  }
0x42: {  	[tilespmem:s17], [sflag:$0x1] =	stream.indirect_vreg.gather [hbm4b:s2+s3], $0x80, v3, vm0, $0xb8;
	[tilespmem:$0x6080] =	vst v63  }
0x43: {  	v3 =	vld [tilespmem:$0x50];
	_ =	sdelay $0x4  }
0x44: {  	v63 =	vshll.u32 v3, $0x1  }
0x45: {  	v3 =	vand.u32 $0x7, v3;
	v4 =	vand.u32 $0xFFFFFFF0, v63  }
0x46: {  	v3 =	vor.u32 v3, v4  }
0x47: {  	v4 =	vperm.xlane v3, v0;
	_ =	sdelay $0x1  }
0x48: {  	v3 =	vperm.xlane v3, v2;
	v4 =	vadd.s32 v1, v4;
	_ =	sdelay $0x1  }
0x49: {  	v3 =	vadd.s32 v1, v3;
	_ =	sdelay $0x2  }
0x4a: {  	[tilespmem:s18], [sflag:$0x1] =	stream.indirect_vreg.gather [hbm4b:s2+s3], $0x80, v4, vm0, $0xb8;
	[tilespmem:$0x6080] =	vst v63  }
0x4b: {  	_ = 	snop  }
0x4c: {  	[tilespmem:s19], [sflag:$0x1] =	stream.indirect_vreg.gather [hbm4b:s2+s3], $0x80, v3, vm0, $0xb8;
	[tilespmem:$0x6080] =	vst v63  }
0x4d: {  	_ =	swait.ge [sflag:s20], $0x6000  }
0x4e: {  	p0 =	sne.s32 s6, $0x1;
	[sflag:s20] =	ssyncset.done $0x0  }
.Ltmp0:
0x4f: {  	[sflag:s20] =	ssyncadd.s32 $0xFFFFA000;
	(pc) =	sbr.rel @p0 .LBB2_1-.Ltmp0, $4  }
0x50: {  	[hbm4b:s5+s3] =	stream.linear.scatter [tilespmem:s8], [sflag:$0x2], $0x6000, $0x38;
	[tilespmem:$0x6080] =	vst v63  }
0x51: {  	_ =	swait.ge [sflag:s7], $0x6000  }
0x52: {  	[sflag:s7] =	ssyncset.done $0x0  }
0x53: {  	s6 =	sadd.s32 $0xFFFFFFFF, s6;
	[sflag:s7] =	ssyncadd.s32 $0xFFFFA000  }
0x54: {  	_ =	sfence.sel $0x180000  }
0x55: {  	[bflag:$0x0] =	sbarrier.arrive $0xFFFF  }
0x56: {  	p0 =	sne.s32 s0, $0x0;
	_ =	strace $0x9000004D  }
0x57: {  	s0 =	sadd.s32 @!p0 $0x100000, s1;
	[bflag:$0x2] =	sbarrier.arrive $0xFFFF  }
0x58: {  	[sflag:s0] =	ssyncadd.tile.s32 @!p0 $0x1;
	_ =	shalt  }
.Lfunc_end2:
_tile_overlayer_lowered:
.L_overlay_start_2:
0x59: {  	(tag) =	ssettag $0x2  }
0x5a: {  	s0 =	rddreg [dreg:$0x0];
	s2 =	stileid.u32  }
0x5b: {  	s1 =	rddreg [dreg:$0x1];
	p0 =	sne.s32 s2, $0x0  }
0x5c: {  	s3 =	rddreg [dreg:$0x2];
	[bflag:$0x3] =	sbarrier.arrive $0xFFFF;
	s2 =	simm.s32 @!p0 $0x1C02  }
0x5d: {  	[timem:s3], [sflag:s2] =	dma.local @!p0 [hbm:s0], s1  }
0x5e: {  	s0 =	simm.s32 @!p0 $0x2  }
0x5f: {  	_ =	swait.ge @!p0 [sflag:s0], s1  }
0x60: {  	s1 =	ssub.s32 @!p0 $0x0, s1;
	[sflag:s0] =	ssyncset.done @!p0 $0x0  }
0x61: {  	[sflag:s0] =	ssyncadd.s32 @!p0 s1  }
0x62: {  	[bflag:$0x3] =	sbarrier.arrive $0xFFFF  }
0x63: {  	_ =	shalt  }

// kernel: kernel.24.cloned.1.call-start
scs
__scs_entry_jumppad:
0x0: {  	(pc) =	sbr.rel $0x88, $3  }
0x1: {  	(tag) =	ssettag $0x0;
	lr =	simm.s32 $0x1  }
0x2: {  	[smem:$0x3F9F] =	sst lr;
	_ =	strace $0xD0000000  }
0x3: {  	_ = 	snop  }
0x4: {  	_ = 	snop  }
0x5: {  	_ = 	snop  }
0x6: {  	_ = 	snop  }
0x7: {  	_ = 	snop  }
__scs_overlays_trampoline_lowered:
0x8: {  	[smem:$0x3FAE] =	sst s0  }
0x9: {  	[smem:$0x3FAF] =	sst s1  }
0xa: {  	[smem:$0x3FB0] =	sst s2  }
0xb: {  	[smem:$0x3FB1] =	sst s3  }
0xc: {  	[smem:$0x3FB2] =	sst s4  }
0xd: {  	[smem:$0x3FB3] =	sst s5  }
0xe: {  	[smem:$0x3FB4] =	sst s6  }
0xf: {  	[smem:$0x3FB5] =	sst s7  }
0x10: {  	[smem:$0x3FB6] =	sst s8  }
0x11: {  	[smem:$0x3FB7] =	sst s9;
	s0 =	simm.s32 @!p0 $0x0  }
0x12: {  	s1 =	sld [smem:$0x3F9D];
	s0 =	simm.s32 @p0 $0x1  }
0x13: {  	[smem:$0x3FB8] =	sst s0;
	s0 =	simm.s32 @!p1 $0x0  }
0x14: {  	s2 =	sld [smem:$0x3F9C];
	s0 =	simm.s32 @p1 $0x1  }
0x15: {  	[smem:$0x3FB9] =	sst s0;
	s0 =	simm.s32 @!p2 $0x0  }
0x16: {  	s3 =	sld [smem:$0x3FDB];
	s0 =	simm.s32 @p2 $0x1  }
0x17: {  	s4 =	simm.s32 $0x1BF5;
	[smem:$0x3FBB] =	sst s0  }
0x18: {  	s0 =	sld [smem:$0x3F9E];
	_ =	swait.ge [sflag:s4], $0x0  }
0x19: {  	s7 =	sld [smem:$0x3F9F]  }
0x1a: {  	s8 =	sadd.s32 $0xFFFFE003, lr  }
0x1b: {  	s9 =	sadd.s32 $0xFFFFFEF7, lr;
	s5 =	simm.s32 $0xFFFFFFFF;
	p2 =	slt.u32 s8, $0xFFFFF086  }
0x1c: {  	p1 =	slt.u32 s9, $0xF7A;
	s5 =	simm.s32 @!p2 $0x0  }
0x1d: {  	s5 =	simm.s32 @p1 $0x1;
	p0 =	seq.s32 s7, s2  }
0x1e: {  	s7 =	smul.u32 @!p0 $0xF7A, s2;
	p2 =	seq.s32 @!p0 s5, $0x0  }
0x1f: {  	s9 =	smul.u32 $0xF7A, s1;
	s8 =	simm.s32 @!p0 $0x1BF5;
	p2 =	por !p2, p0  }
0x20: {  	[sflag:s8] =	ssyncset.s32 @!p0 $0xFFFFF086;
	s6 =	sadd.s32 @!p0 s3, s7;
	s7 =	simm.s32 @!p0 $0x108  }
0x21: {  	s3 =	sadd.s32 s3, s9;
	s6 =	sadd.s32 @!p0 $0x88, s6;
	s7 =	simm.s32 @p2 $0x1082  }
0x22: {  	[simem:s7], [sflag:s8] =	dma.local @!p0 [hbm:s6], $0xF7A  }
0x23: {  	s9 =	sor.u32 $0xD0000000, s2;
	s6 =	simm.s32 $0x108;
	_ =	swait.ge @!p0 [sflag:s8], $0x0  }
0x24: {  	s3 =	sadd.s32 $0x88, s3;
	s6 =	simm.s32 @!p1 $0x1082;
	[sflag:s4] =	ssyncset.s32 $0xFFFFF086  }
0x25: {  	[simem:s6], [sflag:s4] =	dma.local [hbm:s3], $0xF7A  }
0x26: {  	[smem:$0x3F9F] =	sst s1;
	(tag) =	ssettag s2;
	_ =	strace s9  }
0x27: {  	s1 =	sld [smem:$0x3FAF]  }
0x28: {  	s2 =	sld [smem:$0x3FB0]  }
0x29: {  	s4 =	sld [smem:$0x3FB2]  }
0x2a: {  	p0 =	seq.s32 s5, $0x0;
	s5 =	sld [smem:$0x3FB3]  }
0x2b: {  	s6 =	sld [smem:$0x3FB4]  }
0x2c: {  	s7 =	sld [smem:$0x3FB5]  }
0x2d: {  	s3 =	simm.s32 $0x108;
	s8 =	sld [smem:$0x3FB6]  }
0x2e: {  	s3 =	simm.s32 @!p0 $0x1082;
	s9 =	sld [smem:$0x3FB7]  }
0x2f: {  	lr =	sadd.s32 s0, s3;
	s0 =	sld [smem:$0x3FAE]  }
0x30: {  	s3 =	sld [smem:$0x3FB1]  }
0x31: {  	[smem:$0x3FBA] =	sst s10  }
0x32: {  	s10 =	sld [smem:$0x3FB8];
	_ =	sdelay $0x3  }
0x33: {  	p0 =	seq.s32 s10, $0x1;
	s10 =	sld [smem:$0x3FBA];
	_ =	sdelay $0x3  }
0x34: {  	[smem:$0x3FBA] =	sst s10  }
0x35: {  	s10 =	sld [smem:$0x3FB9];
	_ =	sdelay $0x3  }
0x36: {  	p1 =	seq.s32 s10, $0x1;
	s10 =	sld [smem:$0x3FBA];
	_ =	sdelay $0x3  }
0x37: {  	[smem:$0x3FBA] =	sst s10  }
0x38: {  	s10 =	sld [smem:$0x3FBB]  }
0x39: {  	_ = 	snop;
	(pc) =	sbr.ind lr, $3  }
0x3a: {  	_ = 	snop  }
0x3b: {  	_ = 	snop  }
0x3c: {  	p2 =	seq.s32 s10, $0x1;
	s10 =	sld [smem:$0x3FBA]  }
0x3d: {  	_ =	shalt  }
0x3e: {  	_ =	shalt  }
0x3f: {  	_ =	shalt  }
0x40: {  	_ =	shalt  }
0x41: {  	_ =	shalt  }
0x42: {  	_ =	shalt  }
0x43: {  	_ =	shalt  }
0x44: {  	_ =	shalt  }
0x45: {  	_ =	shalt  }
0x46: {  	_ =	shalt  }
0x47: {  	_ =	shalt  }
0x48: {  	_ =	shalt  }
0x49: {  	_ =	shalt  }
0x4a: {  	_ =	shalt  }
0x4b: {  	_ =	shalt  }
0x4c: {  	_ =	shalt  }
0x4d: {  	_ =	shalt  }
0x4e: {  	_ =	shalt  }
0x4f: {  	_ =	shalt  }
0x50: {  	_ =	shalt  }
0x51: {  	_ =	shalt  }
0x52: {  	_ =	shalt  }
0x53: {  	_ =	shalt  }
0x54: {  	_ =	shalt  }
0x55: {  	_ =	shalt  }
0x56: {  	_ =	shalt  }
0x57: {  	_ =	shalt  }
0x58: {  	_ =	shalt  }
0x59: {  	_ =	shalt  }
0x5a: {  	_ =	shalt  }
0x5b: {  	_ =	shalt  }
0x5c: {  	_ =	shalt  }
0x5d: {  	_ =	shalt  }
0x5e: {  	_ =	shalt  }
0x5f: {  	_ =	shalt  }
0x60: {  	_ =	shalt  }
0x61: {  	_ =	shalt  }
0x62: {  	_ =	shalt  }
0x63: {  	_ =	shalt  }
0x64: {  	_ =	shalt  }
0x65: {  	_ =	shalt  }
0x66: {  	_ =	shalt  }
0x67: {  	_ =	shalt  }
0x68: {  	_ =	shalt  }
0x69: {  	_ =	shalt  }
0x6a: {  	_ =	shalt  }
0x6b: {  	_ =	shalt  }
0x6c: {  	_ =	shalt  }
0x6d: {  	_ =	shalt  }
0x6e: {  	_ =	shalt  }
0x6f: {  	_ =	shalt  }
0x70: {  	_ =	shalt  }
0x71: {  	_ =	shalt  }
0x72: {  	_ =	shalt  }
0x73: {  	_ =	shalt  }
0x74: {  	_ =	shalt  }
0x75: {  	_ =	shalt  }
0x76: {  	_ =	shalt  }
0x77: {  	_ =	shalt  }
0x78: {  	_ =	shalt  }
0x79: {  	_ =	shalt  }
0x7a: {  	_ =	shalt  }
0x7b: {  	_ =	shalt  }
0x7c: {  	_ =	shalt  }
0x7d: {  	_ =	shalt  }
0x7e: {  	_ =	shalt  }
0x7f: {  	_ =	shalt  }
0x80: {  	_ =	shalt  }
0x81: {  	_ =	shalt  }
0x82: {  	_ =	shalt  }
0x83: {  	_ =	shalt  }
0x84: {  	_ =	shalt  }
0x85: {  	_ =	shalt  }
0x86: {  	_ =	shalt  }
0x87: {  	_ =	shalt  }
.Lfunc_end0:
.L_simem_size_0:
called_computation.3_lowered:
.L_overlay_start_0:
0x88: {  	s2 =	sld [smem:$0x3FD9]  }
0x89: {  	s3 =	sld [smem:$0x3FFE];
	_ =	sdelay $0x1  }
0x8a: {  	s1 =	srdreg.scid  }
0x8b: {  	s0 =	sand.u32 $0x1, s1  }
0x8c: {  	s17 =	sshll.u32 s0, $0xA;
	s2 =	sadd.s32 s3, s2  }
0x8d: {  	s2 =	sadd.s32 s2, s17  }
0x8e: {  	[smem:$0x3FC6] =	sst s2  }
0x8f: {  	_ = 	snop  }
0x90: {  	s18 =	sld [smem:$0x3FC8];
	(tm) =	ssettm $0x1  }
0x91: {  	s19 =	sld [smem:$0x3FFB];
	_ =	sdelay $0x3  }
0x92: {  	_ =	strace s19  }
0x93: {  	s2 =	sld [smem:$0x3FFC];
	_ =	sdelay $0x3  }
0x94: {  	_ =	strace s2  }
0x95: {  	s2 =	sld [smem:$0x3FFD];
	_ =	sdelay $0x3  }
0x96: {  	_ =	strace s2  }
0x97: {  	_ =	strace $0x8FFFFFFF  }
0x98: {  	s20 =	sld [smem:$0x3FDB];
	_ =	sdelay $0x1  }
0x99: {  	s4 =	simm.s32 $_scs_section_size  }
0x9a: {  	s5 =	simm.s32 $_size__tile_overlayer_lowered;
	s6 =	simm.s32 $_tile_overlayer_lowered  }
0x9b: {  	s7 =	simm.s32 $0x1BFF;
	s21 =	sshll.u32 s6, $0x1;
	s4 =	sadd.s32 s4, s20  }
0x9c: {  	s22 =	simm.s32 $0x0;
	s5 =	sshll.u32 s5, $0x1;
	s6 =	sadd.s32 s21, s4  }
0x9d: {  	[timem:s22], [sflag:s7] =	dma.local [hbm:s6], s5  }
0x9e: {  	_ =	swait.ge [sflag:s7], s5  }
0x9f: {  	s5 =	ssub.s32 $0x0, s5;
	[sflag:s7] =	ssyncset.done $0x0  }
0xa0: {  	[sflag:s7] =	ssyncadd.s32 s5;
	_ =	sdelay $0x1  }
0xa1: {  	s23 =	simm.s32 $0x1B8B  }
0xa2: {  	_ =	swait.ge [sflag:s23], $0x1  }
0xa3: {  	[sflag:s23] =	ssyncset.done $0x0  }
0xa4: {  	[sflag:s23] =	ssyncadd.s32 $0xFFFFFFFF  }
0xa5: {  	s5 =	sld [smem:$0x0]  }
0xa6: {  	s6 =	sand.u32 $0xFFFFFFFE, s1  }
0xa7: {  	p0 =	sne.s32 s1, s6  }
0xa8: {  	s6 =	sshll.u32 @p0 s6, $0xE  }
0xa9: {  	s6 =	sadd.s32 @p0 $0x11B8D, s6;
	s7 =	sshll.u32 @p0 s5, $0x11  }
0xaa: {  	s6 =	sor.u32 @p0 s7, s6  }
0xab: {  	[sflag:s6] =	ssyncadd.remote.s32 @p0 $0x1;
	_ =	sdelay $0x1  }
0xac: {  	s6 =	simm.s32 @p0 $0x1B8D  }
0xad: {  	_ =	swait.eq @p0 [sflag:s6], $0x1  }
0xae: {  	[sflag:s6] =	ssyncadd.s32 @p0 $0xFFFFFFFF  }
0xaf: {  	s7 =	sshll.u32 @!p0 s1, $0xE  }
0xb0: {  	s7 =	sor.u32 @!p0 $0x4000, s7;
	s6 =	simm.s32 @!p0 $0x1B8D  }
0xb1: {  	s5 =	sshll.u32 @!p0 s5, $0x11;
	s7 =	sadd.s32 @!p0 $0x11B8D, s7;
	_ =	swait.eq @!p0 [sflag:s6], $0x1  }
0xb2: {  	s5 =	sor.u32 @!p0 s5, s7;
	[sflag:s6] =	ssyncadd.s32 @!p0 $0xFFFFFFFF  }
0xb3: {  	s25 =	simm.s32 $0x1B8E;
	s24 =	sld [smem:$0x3FFE];
	[sflag:s5] =	ssyncadd.remote.s32 @!p0 $0x1  }
0xb4: {  	s26 =	simm.s32 $execute0_lowered;
	[smem:$0x3FD2] =	sst s25  }
0xb5: {  	s6 =	sshll.u32 s26, $0x1;
	_ =	strace $0x8000004F;
	[dreg:$0x1] =	wrdreg $0xFFFFFFFF  }
0xb6: {  	s28 =	simm.s32 $_size_execute0_lowered;
	s4 =	sadd.s32 s4, s6;
	[dreg:$0x0] =	wrdreg $0x0  }
0xb7: {  	s6 =	sshll.u32 s28, $0x1;
	[dreg:$0x2] =	wrdreg s4  }
0xb8: {  	[dreg:$0x3] =	wrdreg s6  }
0xb9: {  	[dreg:$0x4] =	wrdreg $0xC0  }
0xba: {  	_ =	task [dreg:s22], $0x5FFFF  }
0xbb: {  	[dreg:$0x1] =	wrdreg $0xFFFFFFFF  }
0xbc: {  	[dreg:$0x0] =	wrdreg $0x60  }
0xbd: {  	[dreg:$0x2] =	wrdreg s24  }
0xbe: {  	[dreg:$0x3] =	wrdreg s18  }
0xbf: {  	[dreg:$0x4] =	wrdreg $0xC  }
0xc0: {  	_ =	task.clear_ibuf [dreg:s22], $0x5FFFF;
	_ =	strace $0x9000004F  }
0xc1: {  	s29 =	simm.s32 $0xC;
	_ =	strace $0x80000051  }
0xc2: {  	_ =	swait.ge [sflag:s29], $0x1  }
0xc3: {  	[sflag:s29] =	ssyncadd.s32 $0xFFFFFFFF  }
0xc4: {  	_ =	strace $0x90000051  }
0xc5: {  	_ =	sfence  }
0xc6: {  	s30 =	sld [smem:$0x0];
	_ =	sdelay $0x2  }
0xc7: {  	s31 =	sshll.u32 s1, $0xD;
	s1 =	sshrl.u32 s1, $0x2  }
0xc8: {  	s4 =	sand.u32 $0x4000, s31;
	s1 =	sadd.s32 s1, s30  }
0xc9: {  	s0 =	sor.u32 s4, s0;
	s1 =	sshll.u32 s1, $0x11  }
0xca: {  	s0 =	sor.u32 s1, s0  }
0xcb: {  	s0 =	sadd.s32 $0x8F2B, s0  }
0xcc: {  	[sflag:s0] =	ssyncadd.remote.s32 $0x1  }
0xcd: {  	_ =	sfence.sel $0xFFFF  }
0xce: {  	[dreg:$0x0] =	wrdreg $0xFFFFFFFF;
	(pc) =	sbr.abs _section_cstart, $3  }
0xcf: {  	[dreg:$0x1] =	wrdreg $0xFFFFFFFF  }
0xd0: {  	_ =	task.clear_ibuf [dreg:s22], $0x2FFFF;
	_ =	strace $0x9FFFFFFF  }
0xd1: {  	(tm) =	ssettm $0x7FFFFFFF  }
tec
execute0_lowered:
.L_overlay_start_1:
0x0: {  	(tag) =	ssettag $0x1  }
0x1: {  	s1 =	srdreg.scid;
	s4 =	rddreg [dreg:$0x0]  }
0x2: {  	s0 =	stileid.u32;
	s2 =	rddreg [dreg:$0x1];
	s3 =	simm.s32 $0x0  }
0x3: {  	s9 =	simm.s32 $0x880;
	s10 =	simm.s32 $0x1080;
	s11 =	simm.s32 $0x1880  }
0x4: {  	s12 =	simm.s32 $0x2080;
	s13 =	simm.s32 $0x2880;
	s14 =	simm.s32 $0x3080  }
0x5: {  	s15 =	simm.s32 $0x3880;
	s5 =	sand.u32 $0x1, s1;
	s30 =	sshll.u32 s0, $0x1  }
0x6: {  	s16 =	simm.s32 $0x4080;
	s17 =	simm.s32 $0x4880;
	s6 =	sor.u32 s5, s30  }
0x7: {  	s18 =	simm.s32 $0x5080;
	s19 =	simm.s32 $0x5880;
	s7 =	smul.u32 $0xC, s6  }
0x8: {  	s20 =	simm.s32 $0x1;
	[smem:$0x7FF] =	sst s3;
	s6 =	smul.u32 $0xC00, s6  }
0x9: {  	s1 =	rddreg [dreg:$0x2];
	_ =	strace $0x80000050;
	s5 =	ssub.s32 $0x2, s5  }
0xa: {  	v2 =	vlaneseq.u32;
	s31 =	sshrl.u32 s5, $0x1;
	s7 =	sadd.s32 s7, s4;
	s6 =	sadd.s32 s6, s4  }
0xb: {  	vm0 =	vmmov $0xffff;
	v1 =	vshrl.u32 v2, $0x3;
	s8 =	ssub.s32 s5, s31;
	s4 =	sadd.s32 $0x7A00, s7;
	s5 =	sadd.s32 $0x67400, s6  }
0xc: {  	v0 =	vand.u32 $0x7, v2;
	v2 =	vor.u32 $0x8, v2;
	v1 =	vmul.u32 $0x8, v1;
	s6 =	smax.u32 s8, $0x1;
	s7 =	simm.s32 $0x2;
	s8 =	simm.s32 $0x80  }
.LBB2_1:
0xd: {  	[tilespmem:s3], [sflag:$0x2] =	stream.linear.gather [hbm4b:s4+s3], $0x60, $0x38;
	[tilespmem:$0x6080] =	vst v63  }
0xe: {  	_ =	swait.ge [sflag:s7], $0x60  }
0xf: {  	[sflag:s7] =	ssyncset.done $0x0  }
0x10: {  	[sflag:s7] =	ssyncadd.s32 $0xFFFFFFA0  }
0x11: {  	v3 =	vld [tilespmem:$0x0];
	_ =	sdelay $0x4  }
0x12: {  	v4 =	vshll.u32 v3, $0x1  }
0x13: {  	v3 =	vand.u32 $0x7, v3;
	v4 =	vand.u32 $0xFFFFFFF0, v4  }
0x14: {  	v3 =	vor.u32 v3, v4  }
0x15: {  	v4 =	vperm.xlane v3, v0;
	_ =	sdelay $0x1  }
0x16: {  	v3 =	vperm.xlane v3, v2;
	v4 =	vadd.s32 v1, v4;
	_ =	sdelay $0x1  }
0x17: {  	v3 =	vadd.s32 v1, v3;
	_ =	sdelay $0x2  }
0x18: {  	[tilespmem:s8], [sflag:$0x1] =	stream.indirect_vreg.gather [hbm4b:s2+s3], $0x80, v4, vm0, $0xb8;
	[tilespmem:$0x6080] =	vst v63  }
0x19: {  	_ = 	snop  }
0x1a: {  	[tilespmem:s9], [sflag:$0x1] =	stream.indirect_vreg.gather [hbm4b:s2+s3], $0x80, v3, vm0, $0xb8;
	[tilespmem:$0x6080] =	vst v63  }
0x1b: {  	v3 =	vld [tilespmem:$0x10];
	_ =	sdelay $0x4  }
0x1c: {  	v59 =	vshll.u32 v3, $0x1  }
0x1d: {  	v3 =	vand.u32 $0x7, v3;
	v4 =	vand.u32 $0xFFFFFFF0, v59  }
0x1e: {  	v3 =	vor.u32 v3, v4  }
0x1f: {  	v4 =	vperm.xlane v3, v0;
	_ =	sdelay $0x1  }
0x20: {  	v3 =	vperm.xlane v3, v2;
	v4 =	vadd.s32 v1, v4;
	_ =	sdelay $0x1  }
0x21: {  	v3 =	vadd.s32 v1, v3;
	_ =	sdelay $0x2  }
0x22: {  	[tilespmem:s10], [sflag:$0x1] =	stream.indirect_vreg.gather [hbm4b:s2+s3], $0x80, v4, vm0, $0xb8;
	[tilespmem:$0x6080] =	vst v63  }
0x23: {  	_ = 	snop  }
0x24: {  	[tilespmem:s11], [sflag:$0x1] =	stream.indirect_vreg.gather [hbm4b:s2+s3], $0x80, v3, vm0, $0xb8;
	[tilespmem:$0x6080] =	vst v63  }
0x25: {  	v3 =	vld [tilespmem:$0x20];
	_ =	sdelay $0x4  }
0x26: {  	v60 =	vshll.u32 v3, $0x1  }
0x27: {  	v3 =	vand.u32 $0x7, v3;
	v4 =	vand.u32 $0xFFFFFFF0, v60  }
0x28: {  	v3 =	vor.u32 v3, v4  }
0x29: {  	v4 =	vperm.xlane v3, v0;
	_ =	sdelay $0x1  }
0x2a: {  	v3 =	vperm.xlane v3, v2;
	v4 =	vadd.s32 v1, v4;
	_ =	sdelay $0x1  }
0x2b: {  	v3 =	vadd.s32 v1, v3;
	_ =	sdelay $0x2  }
0x2c: {  	[tilespmem:s12], [sflag:$0x1] =	stream.indirect_vreg.gather [hbm4b:s2+s3], $0x80, v4, vm0, $0xb8;
	[tilespmem:$0x6080] =	vst v63  }
0x2d: {  	_ = 	snop  }
0x2e: {  	[tilespmem:s13], [sflag:$0x1] =	stream.indirect_vreg.gather [hbm4b:s2+s3], $0x80, v3, vm0, $0xb8;
	[tilespmem:$0x6080] =	vst v63  }
0x2f: {  	v3 =	vld [tilespmem:$0x30];
	_ =	sdelay $0x4  }
0x30: {  	v61 =	vshll.u32 v3, $0x1  }
0x31: {  	v3 =	vand.u32 $0x7, v3;
	v4 =	vand.u32 $0xFFFFFFF0, v61  }
0x32: {  	v3 =	vor.u32 v3, v4  }
0x33: {  	v4 =	vperm.xlane v3, v0;
	_ =	sdelay $0x1  }
0x34: {  	v3 =	vperm.xlane v3, v2;
	v4 =	vadd.s32 v1, v4;
	_ =	sdelay $0x1  }
0x35: {  	v3 =	vadd.s32 v1, v3;
	_ =	sdelay $0x2  }
0x36: {  	[tilespmem:s14], [sflag:$0x1] =	stream.indirect_vreg.gather [hbm4b:s2+s3], $0x80, v4, vm0, $0xb8;
	[tilespmem:$0x6080] =	vst v63  }
0x37: {  	_ = 	snop  }
0x38: {  	[tilespmem:s15], [sflag:$0x1] =	stream.indirect_vreg.gather [hbm4b:s2+s3], $0x80, v3, vm0, $0xb8;
	[tilespmem:$0x6080] =	vst v63  }
0x39: {  	v3 =	vld [tilespmem:$0x40];
	_ =	sdelay $0x4  }
0x3a: {  	v62 =	vshll.u32 v3, $0x1  }
0x3b: {  	v3 =	vand.u32 $0x7, v3;
	v4 =	vand.u32 $0xFFFFFFF0, v62  }
0x3c: {  	v3 =	vor.u32 v3, v4  }
0x3d: {  	v4 =	vperm.xlane v3, v0;
	_ =	sdelay $0x1  }
0x3e: {  	v3 =	vperm.xlane v3, v2;
	v4 =	vadd.s32 v1, v4;
	_ =	sdelay $0x1  }
0x3f: {  	v3 =	vadd.s32 v1, v3;
	_ =	sdelay $0x2  }
0x40: {  	[tilespmem:s16], [sflag:$0x1] =	stream.indirect_vreg.gather [hbm4b:s2+s3], $0x80, v4, vm0, $0xb8;
	[tilespmem:$0x6080] =	vst v63  }
0x41: {  	_ = 	snop  }
0x42: {  	[tilespmem:s17], [sflag:$0x1] =	stream.indirect_vreg.gather [hbm4b:s2+s3], $0x80, v3, vm0, $0xb8;
	[tilespmem:$0x6080] =	vst v63  }
0x43: {  	v3 =	vld [tilespmem:$0x50];
	_ =	sdelay $0x4  }
0x44: {  	v63 =	vshll.u32 v3, $0x1  }
0x45: {  	v3 =	vand.u32 $0x7, v3;
	v4 =	vand.u32 $0xFFFFFFF0, v63  }
0x46: {  	v3 =	vor.u32 v3, v4  }
0x47: {  	v4 =	vperm.xlane v3, v0;
	_ =	sdelay $0x1  }
0x48: {  	v3 =	vperm.xlane v3, v2;
	v4 =	vadd.s32 v1, v4;
	_ =	sdelay $0x1  }
0x49: {  	v3 =	vadd.s32 v1, v3;
	_ =	sdelay $0x2  }
0x4a: {  	[tilespmem:s18], [sflag:$0x1] =	stream.indirect_vreg.gather [hbm4b:s2+s3], $0x80, v4, vm0, $0xb8;
	[tilespmem:$0x6080] =	vst v63  }
0x4b: {  	_ = 	snop  }
0x4c: {  	[tilespmem:s19], [sflag:$0x1] =	stream.indirect_vreg.gather [hbm4b:s2+s3], $0x80, v3, vm0, $0xb8;
	[tilespmem:$0x6080] =	vst v63  }
0x4d: {  	_ =	swait.ge [sflag:s20], $0x6000  }
0x4e: {  	p0 =	sne.s32 s6, $0x1;
	[sflag:s20] =	ssyncset.done $0x0  }
.Ltmp0:
0x4f: {  	[sflag:s20] =	ssyncadd.s32 $0xFFFFA000;
	(pc) =	sbr.rel @p0 .LBB2_1-.Ltmp0, $4  }
0x50: {  	[hbm4b:s5+s3] =	stream.linear.scatter [tilespmem:s8], [sflag:$0x2], $0x6000, $0x38;
	[tilespmem:$0x6080] =	vst v63  }
0x51: {  	_ =	swait.ge [sflag:s7], $0x6000  }
0x52: {  	[sflag:s7] =	ssyncset.done $0x0  }
0x53: {  	s6 =	sadd.s32 $0xFFFFFFFF, s6;
	[sflag:s7] =	ssyncadd.s32 $0xFFFFA000  }
0x54: {  	_ =	sfence.sel $0x180000  }
0x55: {  	[bflag:$0x0] =	sbarrier.arrive $0xFFFF  }
0x56: {  	p0 =	sne.s32 s0, $0x0;
	_ =	strace $0x90000050  }
0x57: {  	s0 =	sadd.s32 @!p0 $0x100000, s1;
	[bflag:$0x2] =	sbarrier.arrive $0xFFFF  }
0x58: {  	[sflag:s0] =	ssyncadd.tile.s32 @!p0 $0x1;
	_ =	shalt  }
.Lfunc_end2:
_tile_overlayer_lowered:
.L_overlay_start_2:
0x59: {  	(tag) =	ssettag $0x2  }
0x5a: {  	s0 =	rddreg [dreg:$0x0];
	s2 =	stileid.u32  }
0x5b: {  	s1 =	rddreg [dreg:$0x1];
	p0 =	sne.s32 s2, $0x0  }
0x5c: {  	s3 =	rddreg [dreg:$0x2];
	[bflag:$0x3] =	sbarrier.arrive $0xFFFF;
	s2 =	simm.s32 @!p0 $0x1C02  }
0x5d: {  	[timem:s3], [sflag:s2] =	dma.local @!p0 [hbm:s0], s1  }
0x5e: {  	s0 =	simm.s32 @!p0 $0x2  }
0x5f: {  	_ =	swait.ge @!p0 [sflag:s0], s1  }
0x60: {  	s1 =	ssub.s32 @!p0 $0x0, s1;
	[sflag:s0] =	ssyncset.done @!p0 $0x0  }
0x61: {  	[sflag:s0] =	ssyncadd.s32 @!p0 s1  }
0x62: {  	[bflag:$0x3] =	sbarrier.arrive $0xFFFF  }
0x63: {  	_ =	shalt  }

// kernel: kernel.27.cloned.1.call-start
scs
__scs_entry_jumppad:
0x0: {  	(pc) =	sbr.rel $0x88, $3  }
0x1: {  	(tag) =	ssettag $0x0;
	lr =	simm.s32 $0x1  }
0x2: {  	[smem:$0x3F9F] =	sst lr;
	_ =	strace $0xD0000000  }
0x3: {  	_ = 	snop  }
0x4: {  	_ = 	snop  }
0x5: {  	_ = 	snop  }
0x6: {  	_ = 	snop  }
0x7: {  	_ = 	snop  }
__scs_overlays_trampoline_lowered:
0x8: {  	[smem:$0x3FAE] =	sst s0  }
0x9: {  	[smem:$0x3FAF] =	sst s1  }
0xa: {  	[smem:$0x3FB0] =	sst s2  }
0xb: {  	[smem:$0x3FB1] =	sst s3  }
0xc: {  	[smem:$0x3FB2] =	sst s4  }
0xd: {  	[smem:$0x3FB3] =	sst s5  }
0xe: {  	[smem:$0x3FB4] =	sst s6  }
0xf: {  	[smem:$0x3FB5] =	sst s7  }
0x10: {  	[smem:$0x3FB6] =	sst s8  }
0x11: {  	[smem:$0x3FB7] =	sst s9;
	s0 =	simm.s32 @!p0 $0x0  }
0x12: {  	s1 =	sld [smem:$0x3F9D];
	s0 =	simm.s32 @p0 $0x1  }
0x13: {  	[smem:$0x3FB8] =	sst s0;
	s0 =	simm.s32 @!p1 $0x0  }
0x14: {  	s2 =	sld [smem:$0x3F9C];
	s0 =	simm.s32 @p1 $0x1  }
0x15: {  	[smem:$0x3FB9] =	sst s0;
	s0 =	simm.s32 @!p2 $0x0  }
0x16: {  	s3 =	sld [smem:$0x3FDB];
	s0 =	simm.s32 @p2 $0x1  }
0x17: {  	s4 =	simm.s32 $0x1BF5;
	[smem:$0x3FBB] =	sst s0  }
0x18: {  	s0 =	sld [smem:$0x3F9E];
	_ =	swait.ge [sflag:s4], $0x0  }
0x19: {  	s7 =	sld [smem:$0x3F9F]  }
0x1a: {  	s8 =	sadd.s32 $0xFFFFE003, lr  }
0x1b: {  	s9 =	sadd.s32 $0xFFFFFEF7, lr;
	s5 =	simm.s32 $0xFFFFFFFF;
	p2 =	slt.u32 s8, $0xFFFFF086  }
0x1c: {  	p1 =	slt.u32 s9, $0xF7A;
	s5 =	simm.s32 @!p2 $0x0  }
0x1d: {  	s5 =	simm.s32 @p1 $0x1;
	p0 =	seq.s32 s7, s2  }
0x1e: {  	s7 =	smul.u32 @!p0 $0xF7A, s2;
	p2 =	seq.s32 @!p0 s5, $0x0  }
0x1f: {  	s9 =	smul.u32 $0xF7A, s1;
	s8 =	simm.s32 @!p0 $0x1BF5;
	p2 =	por !p2, p0  }
0x20: {  	[sflag:s8] =	ssyncset.s32 @!p0 $0xFFFFF086;
	s6 =	sadd.s32 @!p0 s3, s7;
	s7 =	simm.s32 @!p0 $0x108  }
0x21: {  	s3 =	sadd.s32 s3, s9;
	s6 =	sadd.s32 @!p0 $0x88, s6;
	s7 =	simm.s32 @p2 $0x1082  }
0x22: {  	[simem:s7], [sflag:s8] =	dma.local @!p0 [hbm:s6], $0xF7A  }
0x23: {  	s9 =	sor.u32 $0xD0000000, s2;
	s6 =	simm.s32 $0x108;
	_ =	swait.ge @!p0 [sflag:s8], $0x0  }
0x24: {  	s3 =	sadd.s32 $0x88, s3;
	s6 =	simm.s32 @!p1 $0x1082;
	[sflag:s4] =	ssyncset.s32 $0xFFFFF086  }
0x25: {  	[simem:s6], [sflag:s4] =	dma.local [hbm:s3], $0xF7A  }
0x26: {  	[smem:$0x3F9F] =	sst s1;
	(tag) =	ssettag s2;
	_ =	strace s9  }
0x27: {  	s1 =	sld [smem:$0x3FAF]  }
0x28: {  	s2 =	sld [smem:$0x3FB0]  }
0x29: {  	s4 =	sld [smem:$0x3FB2]  }
0x2a: {  	p0 =	seq.s32 s5, $0x0;
	s5 =	sld [smem:$0x3FB3]  }
0x2b: {  	s6 =	sld [smem:$0x3FB4]  }
0x2c: {  	s7 =	sld [smem:$0x3FB5]  }
0x2d: {  	s3 =	simm.s32 $0x108;
	s8 =	sld [smem:$0x3FB6]  }
0x2e: {  	s3 =	simm.s32 @!p0 $0x1082;
	s9 =	sld [smem:$0x3FB7]  }
0x2f: {  	lr =	sadd.s32 s0, s3;
	s0 =	sld [smem:$0x3FAE]  }
0x30: {  	s3 =	sld [smem:$0x3FB1]  }
0x31: {  	[smem:$0x3FBA] =	sst s10  }
0x32: {  	s10 =	sld [smem:$0x3FB8];
	_ =	sdelay $0x3  }
0x33: {  	p0 =	seq.s32 s10, $0x1;
	s10 =	sld [smem:$0x3FBA];
	_ =	sdelay $0x3  }
0x34: {  	[smem:$0x3FBA] =	sst s10  }
0x35: {  	s10 =	sld [smem:$0x3FB9];
	_ =	sdelay $0x3  }
0x36: {  	p1 =	seq.s32 s10, $0x1;
	s10 =	sld [smem:$0x3FBA];
	_ =	sdelay $0x3  }
0x37: {  	[smem:$0x3FBA] =	sst s10  }
0x38: {  	s10 =	sld [smem:$0x3FBB]  }
0x39: {  	_ = 	snop;
	(pc) =	sbr.ind lr, $3  }
0x3a: {  	_ = 	snop  }
0x3b: {  	_ = 	snop  }
0x3c: {  	p2 =	seq.s32 s10, $0x1;
	s10 =	sld [smem:$0x3FBA]  }
0x3d: {  	_ =	shalt  }
0x3e: {  	_ =	shalt  }
0x3f: {  	_ =	shalt  }
0x40: {  	_ =	shalt  }
0x41: {  	_ =	shalt  }
0x42: {  	_ =	shalt  }
0x43: {  	_ =	shalt  }
0x44: {  	_ =	shalt  }
0x45: {  	_ =	shalt  }
0x46: {  	_ =	shalt  }
0x47: {  	_ =	shalt  }
0x48: {  	_ =	shalt  }
0x49: {  	_ =	shalt  }
0x4a: {  	_ =	shalt  }
0x4b: {  	_ =	shalt  }
0x4c: {  	_ =	shalt  }
0x4d: {  	_ =	shalt  }
0x4e: {  	_ =	shalt  }
0x4f: {  	_ =	shalt  }
0x50: {  	_ =	shalt  }
0x51: {  	_ =	shalt  }
0x52: {  	_ =	shalt  }
0x53: {  	_ =	shalt  }
0x54: {  	_ =	shalt  }
0x55: {  	_ =	shalt  }
0x56: {  	_ =	shalt  }
0x57: {  	_ =	shalt  }
0x58: {  	_ =	shalt  }
0x59: {  	_ =	shalt  }
0x5a: {  	_ =	shalt  }
0x5b: {  	_ =	shalt  }
0x5c: {  	_ =	shalt  }
0x5d: {  	_ =	shalt  }
0x5e: {  	_ =	shalt  }
0x5f: {  	_ =	shalt  }
0x60: {  	_ =	shalt  }
0x61: {  	_ =	shalt  }
0x62: {  	_ =	shalt  }
0x63: {  	_ =	shalt  }
0x64: {  	_ =	shalt  }
0x65: {  	_ =	shalt  }
0x66: {  	_ =	shalt  }
0x67: {  	_ =	shalt  }
0x68: {  	_ =	shalt  }
0x69: {  	_ =	shalt  }
0x6a: {  	_ =	shalt  }
0x6b: {  	_ =	shalt  }
0x6c: {  	_ =	shalt  }
0x6d: {  	_ =	shalt  }
0x6e: {  	_ =	shalt  }
0x6f: {  	_ =	shalt  }
0x70: {  	_ =	shalt  }
0x71: {  	_ =	shalt  }
0x72: {  	_ =	shalt  }
0x73: {  	_ =	shalt  }
0x74: {  	_ =	shalt  }
0x75: {  	_ =	shalt  }
0x76: {  	_ =	shalt  }
0x77: {  	_ =	shalt  }
0x78: {  	_ =	shalt  }
0x79: {  	_ =	shalt  }
0x7a: {  	_ =	shalt  }
0x7b: {  	_ =	shalt  }
0x7c: {  	_ =	shalt  }
0x7d: {  	_ =	shalt  }
0x7e: {  	_ =	shalt  }
0x7f: {  	_ =	shalt  }
0x80: {  	_ =	shalt  }
0x81: {  	_ =	shalt  }
0x82: {  	_ =	shalt  }
0x83: {  	_ =	shalt  }
0x84: {  	_ =	shalt  }
0x85: {  	_ =	shalt  }
0x86: {  	_ =	shalt  }
0x87: {  	_ =	shalt  }
.Lfunc_end0:
.L_simem_size_0:
called_computation.4_lowered:
.L_overlay_start_0:
0x88: {  	s2 =	sld [smem:$0x3FD9]  }
0x89: {  	s3 =	sld [smem:$0x3FFE];
	_ =	sdelay $0x1  }
0x8a: {  	s1 =	srdreg.scid  }
0x8b: {  	s0 =	sand.u32 $0x1, s1  }
0x8c: {  	s17 =	sshll.u32 s0, $0xA;
	s2 =	sadd.s32 s3, s2  }
0x8d: {  	s2 =	sadd.s32 s2, s17  }
0x8e: {  	[smem:$0x3FC6] =	sst s2  }
0x8f: {  	_ = 	snop  }
0x90: {  	s18 =	sld [smem:$0x3FC8];
	(tm) =	ssettm $0x1  }
0x91: {  	s19 =	sld [smem:$0x3FFB];
	_ =	sdelay $0x3  }
0x92: {  	_ =	strace s19  }
0x93: {  	s2 =	sld [smem:$0x3FFC];
	_ =	sdelay $0x3  }
0x94: {  	_ =	strace s2  }
0x95: {  	s2 =	sld [smem:$0x3FFD];
	_ =	sdelay $0x3  }
0x96: {  	_ =	strace s2  }
0x97: {  	_ =	strace $0x8FFFFFFF  }
0x98: {  	s20 =	sld [smem:$0x3FDB];
	_ =	sdelay $0x1  }
0x99: {  	s4 =	simm.s32 $_scs_section_size  }
0x9a: {  	s5 =	simm.s32 $_size__tile_overlayer_lowered;
	s6 =	simm.s32 $_tile_overlayer_lowered  }
0x9b: {  	s7 =	simm.s32 $0x1BFF;
	s21 =	sshll.u32 s6, $0x1;
	s4 =	sadd.s32 s4, s20  }
0x9c: {  	s22 =	simm.s32 $0x0;
	s5 =	sshll.u32 s5, $0x1;
	s6 =	sadd.s32 s21, s4  }
0x9d: {  	[timem:s22], [sflag:s7] =	dma.local [hbm:s6], s5  }
0x9e: {  	_ =	swait.ge [sflag:s7], s5  }
0x9f: {  	s5 =	ssub.s32 $0x0, s5;
	[sflag:s7] =	ssyncset.done $0x0  }
0xa0: {  	[sflag:s7] =	ssyncadd.s32 s5;
	_ =	sdelay $0x1  }
0xa1: {  	s23 =	simm.s32 $0x1B8B  }
0xa2: {  	_ =	swait.ge [sflag:s23], $0x1  }
0xa3: {  	[sflag:s23] =	ssyncset.done $0x0  }
0xa4: {  	[sflag:s23] =	ssyncadd.s32 $0xFFFFFFFF  }
0xa5: {  	s5 =	sld [smem:$0x0]  }
0xa6: {  	s6 =	sand.u32 $0xFFFFFFFE, s1  }
0xa7: {  	p0 =	sne.s32 s1, s6  }
0xa8: {  	s6 =	sshll.u32 @p0 s6, $0xE  }
0xa9: {  	s6 =	sadd.s32 @p0 $0x11B8D, s6;
	s7 =	sshll.u32 @p0 s5, $0x11  }
0xaa: {  	s6 =	sor.u32 @p0 s7, s6  }
0xab: {  	[sflag:s6] =	ssyncadd.remote.s32 @p0 $0x1;
	_ =	sdelay $0x1  }
0xac: {  	s6 =	simm.s32 @p0 $0x1B8D  }
0xad: {  	_ =	swait.eq @p0 [sflag:s6], $0x1  }
0xae: {  	[sflag:s6] =	ssyncadd.s32 @p0 $0xFFFFFFFF  }
0xaf: {  	s7 =	sshll.u32 @!p0 s1, $0xE  }
0xb0: {  	s7 =	sor.u32 @!p0 $0x4000, s7;
	s6 =	simm.s32 @!p0 $0x1B8D  }
0xb1: {  	s5 =	sshll.u32 @!p0 s5, $0x11;
	s7 =	sadd.s32 @!p0 $0x11B8D, s7;
	_ =	swait.eq @!p0 [sflag:s6], $0x1  }
0xb2: {  	s5 =	sor.u32 @!p0 s5, s7;
	[sflag:s6] =	ssyncadd.s32 @!p0 $0xFFFFFFFF  }
0xb3: {  	s25 =	simm.s32 $0x1B8E;
	s24 =	sld [smem:$0x3FFE];
	[sflag:s5] =	ssyncadd.remote.s32 @!p0 $0x1  }
0xb4: {  	s26 =	simm.s32 $execute0_lowered;
	[smem:$0x3FD2] =	sst s25  }
0xb5: {  	s6 =	sshll.u32 s26, $0x1;
	_ =	strace $0x80000052;
	[dreg:$0x1] =	wrdreg $0xFFFFFFFF  }
0xb6: {  	s28 =	simm.s32 $_size_execute0_lowered;
	s4 =	sadd.s32 s4, s6;
	[dreg:$0x0] =	wrdreg $0x0  }
0xb7: {  	s6 =	sshll.u32 s28, $0x1;
	[dreg:$0x2] =	wrdreg s4  }
0xb8: {  	[dreg:$0x3] =	wrdreg s6  }
0xb9: {  	[dreg:$0x4] =	wrdreg $0xC0  }
0xba: {  	_ =	task [dreg:s22], $0x5FFFF  }
0xbb: {  	[dreg:$0x1] =	wrdreg $0xFFFFFFFF  }
0xbc: {  	[dreg:$0x0] =	wrdreg $0x60  }
0xbd: {  	[dreg:$0x2] =	wrdreg s24  }
0xbe: {  	[dreg:$0x3] =	wrdreg s18  }
0xbf: {  	[dreg:$0x4] =	wrdreg $0xD  }
0xc0: {  	_ =	task.clear_ibuf [dreg:s22], $0x5FFFF;
	_ =	strace $0x90000052  }
0xc1: {  	s29 =	simm.s32 $0xD;
	_ =	strace $0x80000054  }
0xc2: {  	_ =	swait.ge [sflag:s29], $0x1  }
0xc3: {  	[sflag:s29] =	ssyncadd.s32 $0xFFFFFFFF  }
0xc4: {  	_ =	strace $0x90000054  }
0xc5: {  	_ =	sfence  }
0xc6: {  	s30 =	sld [smem:$0x0];
	_ =	sdelay $0x2  }
0xc7: {  	s31 =	sshll.u32 s1, $0xD;
	s1 =	sshrl.u32 s1, $0x2  }
0xc8: {  	s4 =	sand.u32 $0x4000, s31;
	s1 =	sadd.s32 s1, s30  }
0xc9: {  	s0 =	sor.u32 s4, s0;
	s1 =	sshll.u32 s1, $0x11  }
0xca: {  	s0 =	sor.u32 s1, s0  }
0xcb: {  	s0 =	sadd.s32 $0x8F2B, s0  }
0xcc: {  	[sflag:s0] =	ssyncadd.remote.s32 $0x1  }
0xcd: {  	_ =	sfence.sel $0xFFFF  }
0xce: {  	[dreg:$0x0] =	wrdreg $0xFFFFFFFF;
	(pc) =	sbr.abs _section_cstart, $3  }
0xcf: {  	[dreg:$0x1] =	wrdreg $0xFFFFFFFF  }
0xd0: {  	_ =	task.clear_ibuf [dreg:s22], $0x2FFFF;
	_ =	strace $0x9FFFFFFF  }
0xd1: {  	(tm) =	ssettm $0x7FFFFFFF  }
tec
execute0_lowered:
.L_overlay_start_1:
0x0: {  	(tag) =	ssettag $0x1  }
0x1: {  	s1 =	srdreg.scid;
	s4 =	rddreg [dreg:$0x0]  }
0x2: {  	s0 =	stileid.u32;
	s2 =	rddreg [dreg:$0x1];
	s3 =	simm.s32 $0x0  }
0x3: {  	s9 =	simm.s32 $0x880;
	s10 =	simm.s32 $0x1080;
	s11 =	simm.s32 $0x1880  }
0x4: {  	s12 =	simm.s32 $0x2080;
	s13 =	simm.s32 $0x2880;
	s14 =	simm.s32 $0x3080  }
0x5: {  	s15 =	simm.s32 $0x3880;
	s5 =	sand.u32 $0x1, s1;
	s30 =	sshll.u32 s0, $0x1  }
0x6: {  	s16 =	simm.s32 $0x4080;
	s17 =	simm.s32 $0x4880;
	s6 =	sor.u32 s5, s30  }
0x7: {  	s18 =	simm.s32 $0x5080;
	s19 =	simm.s32 $0x5880;
	s7 =	smul.u32 $0xC, s6  }
0x8: {  	s20 =	simm.s32 $0x1;
	[smem:$0x7FF] =	sst s3;
	s6 =	smul.u32 $0xC00, s6  }
0x9: {  	s1 =	rddreg [dreg:$0x2];
	_ =	strace $0x80000053;
	s5 =	ssub.s32 $0x2, s5  }
0xa: {  	v2 =	vlaneseq.u32;
	s31 =	sshrl.u32 s5, $0x1;
	s7 =	sadd.s32 s7, s4;
	s6 =	sadd.s32 s6, s4  }
0xb: {  	vm0 =	vmmov $0xffff;
	v1 =	vshrl.u32 v2, $0x3;
	s8 =	ssub.s32 s5, s31;
	s4 =	sadd.s32 $0x7E00, s7;
	s5 =	sadd.s32 $0x7F400, s6  }
0xc: {  	v0 =	vand.u32 $0x7, v2;
	v2 =	vor.u32 $0x8, v2;
	v1 =	vmul.u32 $0x8, v1;
	s6 =	smax.u32 s8, $0x1;
	s7 =	simm.s32 $0x2;
	s8 =	simm.s32 $0x80  }
.LBB2_1:
0xd: {  	[tilespmem:s3], [sflag:$0x2] =	stream.linear.gather [hbm4b:s4+s3], $0x60, $0x38;
	[tilespmem:$0x6080] =	vst v63  }
0xe: {  	_ =	swait.ge [sflag:s7], $0x60  }
0xf: {  	[sflag:s7] =	ssyncset.done $0x0  }
0x10: {  	[sflag:s7] =	ssyncadd.s32 $0xFFFFFFA0  }
0x11: {  	v3 =	vld [tilespmem:$0x0];
	_ =	sdelay $0x4  }
0x12: {  	v4 =	vshll.u32 v3, $0x1  }
0x13: {  	v3 =	vand.u32 $0x7, v3;
	v4 =	vand.u32 $0xFFFFFFF0, v4  }
0x14: {  	v3 =	vor.u32 v3, v4  }
0x15: {  	v4 =	vperm.xlane v3, v0;
	_ =	sdelay $0x1  }
0x16: {  	v3 =	vperm.xlane v3, v2;
	v4 =	vadd.s32 v1, v4;
	_ =	sdelay $0x1  }
0x17: {  	v3 =	vadd.s32 v1, v3;
	_ =	sdelay $0x2  }
0x18: {  	[tilespmem:s8], [sflag:$0x1] =	stream.indirect_vreg.gather [hbm4b:s2+s3], $0x80, v4, vm0, $0xb8;
	[tilespmem:$0x6080] =	vst v63  }
0x19: {  	_ = 	snop  }
0x1a: {  	[tilespmem:s9], [sflag:$0x1] =	stream.indirect_vreg.gather [hbm4b:s2+s3], $0x80, v3, vm0, $0xb8;
	[tilespmem:$0x6080] =	vst v63  }
0x1b: {  	v3 =	vld [tilespmem:$0x10];
	_ =	sdelay $0x4  }
0x1c: {  	v59 =	vshll.u32 v3, $0x1  }
0x1d: {  	v3 =	vand.u32 $0x7, v3;
	v4 =	vand.u32 $0xFFFFFFF0, v59  }
0x1e: {  	v3 =	vor.u32 v3, v4  }
0x1f: {  	v4 =	vperm.xlane v3, v0;
	_ =	sdelay $0x1  }
0x20: {  	v3 =	vperm.xlane v3, v2;
	v4 =	vadd.s32 v1, v4;
	_ =	sdelay $0x1  }
0x21: {  	v3 =	vadd.s32 v1, v3;
	_ =	sdelay $0x2  }
0x22: {  	[tilespmem:s10], [sflag:$0x1] =	stream.indirect_vreg.gather [hbm4b:s2+s3], $0x80, v4, vm0, $0xb8;
	[tilespmem:$0x6080] =	vst v63  }
0x23: {  	_ = 	snop  }
0x24: {  	[tilespmem:s11], [sflag:$0x1] =	stream.indirect_vreg.gather [hbm4b:s2+s3], $0x80, v3, vm0, $0xb8;
	[tilespmem:$0x6080] =	vst v63  }
0x25: {  	v3 =	vld [tilespmem:$0x20];
	_ =	sdelay $0x4  }
0x26: {  	v60 =	vshll.u32 v3, $0x1  }
0x27: {  	v3 =	vand.u32 $0x7, v3;
	v4 =	vand.u32 $0xFFFFFFF0, v60  }
0x28: {  	v3 =	vor.u32 v3, v4  }
0x29: {  	v4 =	vperm.xlane v3, v0;
	_ =	sdelay $0x1  }
0x2a: {  	v3 =	vperm.xlane v3, v2;
	v4 =	vadd.s32 v1, v4;
	_ =	sdelay $0x1  }
0x2b: {  	v3 =	vadd.s32 v1, v3;
	_ =	sdelay $0x2  }
0x2c: {  	[tilespmem:s12], [sflag:$0x1] =	stream.indirect_vreg.gather [hbm4b:s2+s3], $0x80, v4, vm0, $0xb8;
	[tilespmem:$0x6080] =	vst v63  }
0x2d: {  	_ = 	snop  }
0x2e: {  	[tilespmem:s13], [sflag:$0x1] =	stream.indirect_vreg.gather [hbm4b:s2+s3], $0x80, v3, vm0, $0xb8;
	[tilespmem:$0x6080] =	vst v63  }
0x2f: {  	v3 =	vld [tilespmem:$0x30];
	_ =	sdelay $0x4  }
0x30: {  	v61 =	vshll.u32 v3, $0x1  }
0x31: {  	v3 =	vand.u32 $0x7, v3;
	v4 =	vand.u32 $0xFFFFFFF0, v61  }
0x32: {  	v3 =	vor.u32 v3, v4  }
0x33: {  	v4 =	vperm.xlane v3, v0;
	_ =	sdelay $0x1  }
0x34: {  	v3 =	vperm.xlane v3, v2;
	v4 =	vadd.s32 v1, v4;
	_ =	sdelay $0x1  }
0x35: {  	v3 =	vadd.s32 v1, v3;
	_ =	sdelay $0x2  }
0x36: {  	[tilespmem:s14], [sflag:$0x1] =	stream.indirect_vreg.gather [hbm4b:s2+s3], $0x80, v4, vm0, $0xb8;
	[tilespmem:$0x6080] =	vst v63  }
0x37: {  	_ = 	snop  }
0x38: {  	[tilespmem:s15], [sflag:$0x1] =	stream.indirect_vreg.gather [hbm4b:s2+s3], $0x80, v3, vm0, $0xb8;
	[tilespmem:$0x6080] =	vst v63  }
0x39: {  	v3 =	vld [tilespmem:$0x40];
	_ =	sdelay $0x4  }
0x3a: {  	v62 =	vshll.u32 v3, $0x1  }
0x3b: {  	v3 =	vand.u32 $0x7, v3;
	v4 =	vand.u32 $0xFFFFFFF0, v62  }
0x3c: {  	v3 =	vor.u32 v3, v4  }
0x3d: {  	v4 =	vperm.xlane v3, v0;
	_ =	sdelay $0x1  }
0x3e: {  	v3 =	vperm.xlane v3, v2;
	v4 =	vadd.s32 v1, v4;
	_ =	sdelay $0x1  }
0x3f: {  	v3 =	vadd.s32 v1, v3;
	_ =	sdelay $0x2  }
0x40: {  	[tilespmem:s16], [sflag:$0x1] =	stream.indirect_vreg.gather [hbm4b:s2+s3], $0x80, v4, vm0, $0xb8;
	[tilespmem:$0x6080] =	vst v63  }
0x41: {  	_ = 	snop  }
0x42: {  	[tilespmem:s17], [sflag:$0x1] =	stream.indirect_vreg.gather [hbm4b:s2+s3], $0x80, v3, vm0, $0xb8;
	[tilespmem:$0x6080] =	vst v63  }
0x43: {  	v3 =	vld [tilespmem:$0x50];
	_ =	sdelay $0x4  }
0x44: {  	v63 =	vshll.u32 v3, $0x1  }
0x45: {  	v3 =	vand.u32 $0x7, v3;
	v4 =	vand.u32 $0xFFFFFFF0, v63  }
0x46: {  	v3 =	vor.u32 v3, v4  }
0x47: {  	v4 =	vperm.xlane v3, v0;
	_ =	sdelay $0x1  }
0x48: {  	v3 =	vperm.xlane v3, v2;
	v4 =	vadd.s32 v1, v4;
	_ =	sdelay $0x1  }
0x49: {  	v3 =	vadd.s32 v1, v3;
	_ =	sdelay $0x2  }
0x4a: {  	[tilespmem:s18], [sflag:$0x1] =	stream.indirect_vreg.gather [hbm4b:s2+s3], $0x80, v4, vm0, $0xb8;
	[tilespmem:$0x6080] =	vst v63  }
0x4b: {  	_ = 	snop  }
0x4c: {  	[tilespmem:s19], [sflag:$0x1] =	stream.indirect_vreg.gather [hbm4b:s2+s3], $0x80, v3, vm0, $0xb8;
	[tilespmem:$0x6080] =	vst v63  }
0x4d: {  	_ =	swait.ge [sflag:s20], $0x6000  }
0x4e: {  	p0 =	sne.s32 s6, $0x1;
	[sflag:s20] =	ssyncset.done $0x0  }
.Ltmp0:
0x4f: {  	[sflag:s20] =	ssyncadd.s32 $0xFFFFA000;
	(pc) =	sbr.rel @p0 .LBB2_1-.Ltmp0, $4  }
0x50: {  	[hbm4b:s5+s3] =	stream.linear.scatter [tilespmem:s8], [sflag:$0x2], $0x6000, $0x38;
	[tilespmem:$0x6080] =	vst v63  }
0x51: {  	_ =	swait.ge [sflag:s7], $0x6000  }
0x52: {  	[sflag:s7] =	ssyncset.done $0x0  }
0x53: {  	s6 =	sadd.s32 $0xFFFFFFFF, s6;
	[sflag:s7] =	ssyncadd.s32 $0xFFFFA000  }
0x54: {  	_ =	sfence.sel $0x180000  }
0x55: {  	[bflag:$0x0] =	sbarrier.arrive $0xFFFF  }
0x56: {  	p0 =	sne.s32 s0, $0x0;
	_ =	strace $0x90000053  }
0x57: {  	s0 =	sadd.s32 @!p0 $0x100000, s1;
	[bflag:$0x2] =	sbarrier.arrive $0xFFFF  }
0x58: {  	[sflag:s0] =	ssyncadd.tile.s32 @!p0 $0x1;
	_ =	shalt  }
.Lfunc_end2:
_tile_overlayer_lowered:
.L_overlay_start_2:
0x59: {  	(tag) =	ssettag $0x2  }
0x5a: {  	s0 =	rddreg [dreg:$0x0];
	s2 =	stileid.u32  }
0x5b: {  	s1 =	rddreg [dreg:$0x1];
	p0 =	sne.s32 s2, $0x0  }
0x5c: {  	s3 =	rddreg [dreg:$0x2];
	[bflag:$0x3] =	sbarrier.arrive $0xFFFF;
	s2 =	simm.s32 @!p0 $0x1C02  }
0x5d: {  	[timem:s3], [sflag:s2] =	dma.local @!p0 [hbm:s0], s1  }
0x5e: {  	s0 =	simm.s32 @!p0 $0x2  }
0x5f: {  	_ =	swait.ge @!p0 [sflag:s0], s1  }
0x60: {  	s1 =	ssub.s32 @!p0 $0x0, s1;
	[sflag:s0] =	ssyncset.done @!p0 $0x0  }
0x61: {  	[sflag:s0] =	ssyncadd.s32 @!p0 s1  }
0x62: {  	[bflag:$0x3] =	sbarrier.arrive $0xFFFF  }
0x63: {  	_ =	shalt  }

// kernel: kernel.30.cloned.1.call-start
scs
__scs_entry_jumppad:
0x0: {  	(pc) =	sbr.rel $0x88, $3  }
0x1: {  	(tag) =	ssettag $0x0;
	lr =	simm.s32 $0x1  }
0x2: {  	[smem:$0x3F9F] =	sst lr;
	_ =	strace $0xD0000000  }
0x3: {  	_ = 	snop  }
0x4: {  	_ = 	snop  }
0x5: {  	_ = 	snop  }
0x6: {  	_ = 	snop  }
0x7: {  	_ = 	snop  }
__scs_overlays_trampoline_lowered:
0x8: {  	[smem:$0x3FAE] =	sst s0  }
0x9: {  	[smem:$0x3FAF] =	sst s1  }
0xa: {  	[smem:$0x3FB0] =	sst s2  }
0xb: {  	[smem:$0x3FB1] =	sst s3  }
0xc: {  	[smem:$0x3FB2] =	sst s4  }
0xd: {  	[smem:$0x3FB3] =	sst s5  }
0xe: {  	[smem:$0x3FB4] =	sst s6  }
0xf: {  	[smem:$0x3FB5] =	sst s7  }
0x10: {  	[smem:$0x3FB6] =	sst s8  }
0x11: {  	[smem:$0x3FB7] =	sst s9;
	s0 =	simm.s32 @!p0 $0x0  }
0x12: {  	s1 =	sld [smem:$0x3F9D];
	s0 =	simm.s32 @p0 $0x1  }
0x13: {  	[smem:$0x3FB8] =	sst s0;
	s0 =	simm.s32 @!p1 $0x0  }
0x14: {  	s2 =	sld [smem:$0x3F9C];
	s0 =	simm.s32 @p1 $0x1  }
0x15: {  	[smem:$0x3FB9] =	sst s0;
	s0 =	simm.s32 @!p2 $0x0  }
0x16: {  	s3 =	sld [smem:$0x3FDB];
	s0 =	simm.s32 @p2 $0x1  }
0x17: {  	s4 =	simm.s32 $0x1BF5;
	[smem:$0x3FBB] =	sst s0  }
0x18: {  	s0 =	sld [smem:$0x3F9E];
	_ =	swait.ge [sflag:s4], $0x0  }
0x19: {  	s7 =	sld [smem:$0x3F9F]  }
0x1a: {  	s8 =	sadd.s32 $0xFFFFE003, lr  }
0x1b: {  	s9 =	sadd.s32 $0xFFFFFEF7, lr;
	s5 =	simm.s32 $0xFFFFFFFF;
	p2 =	slt.u32 s8, $0xFFFFF086  }
0x1c: {  	p1 =	slt.u32 s9, $0xF7A;
	s5 =	simm.s32 @!p2 $0x0  }
0x1d: {  	s5 =	simm.s32 @p1 $0x1;
	p0 =	seq.s32 s7, s2  }
0x1e: {  	s7 =	smul.u32 @!p0 $0xF7A, s2;
	p2 =	seq.s32 @!p0 s5, $0x0  }
0x1f: {  	s9 =	smul.u32 $0xF7A, s1;
	s8 =	simm.s32 @!p0 $0x1BF5;
	p2 =	por !p2, p0  }
0x20: {  	[sflag:s8] =	ssyncset.s32 @!p0 $0xFFFFF086;
	s6 =	sadd.s32 @!p0 s3, s7;
	s7 =	simm.s32 @!p0 $0x108  }
0x21: {  	s3 =	sadd.s32 s3, s9;
	s6 =	sadd.s32 @!p0 $0x88, s6;
	s7 =	simm.s32 @p2 $0x1082  }
0x22: {  	[simem:s7], [sflag:s8] =	dma.local @!p0 [hbm:s6], $0xF7A  }
0x23: {  	s9 =	sor.u32 $0xD0000000, s2;
	s6 =	simm.s32 $0x108;
	_ =	swait.ge @!p0 [sflag:s8], $0x0  }
0x24: {  	s3 =	sadd.s32 $0x88, s3;
	s6 =	simm.s32 @!p1 $0x1082;
	[sflag:s4] =	ssyncset.s32 $0xFFFFF086  }
0x25: {  	[simem:s6], [sflag:s4] =	dma.local [hbm:s3], $0xF7A  }
0x26: {  	[smem:$0x3F9F] =	sst s1;
	(tag) =	ssettag s2;
	_ =	strace s9  }
0x27: {  	s1 =	sld [smem:$0x3FAF]  }
0x28: {  	s2 =	sld [smem:$0x3FB0]  }
0x29: {  	s4 =	sld [smem:$0x3FB2]  }
0x2a: {  	p0 =	seq.s32 s5, $0x0;
	s5 =	sld [smem:$0x3FB3]  }
0x2b: {  	s6 =	sld [smem:$0x3FB4]  }
0x2c: {  	s7 =	sld [smem:$0x3FB5]  }
0x2d: {  	s3 =	simm.s32 $0x108;
	s8 =	sld [smem:$0x3FB6]  }
0x2e: {  	s3 =	simm.s32 @!p0 $0x1082;
	s9 =	sld [smem:$0x3FB7]  }
0x2f: {  	lr =	sadd.s32 s0, s3;
	s0 =	sld [smem:$0x3FAE]  }
0x30: {  	s3 =	sld [smem:$0x3FB1]  }
0x31: {  	[smem:$0x3FBA] =	sst s10  }
0x32: {  	s10 =	sld [smem:$0x3FB8];
	_ =	sdelay $0x3  }
0x33: {  	p0 =	seq.s32 s10, $0x1;
	s10 =	sld [smem:$0x3FBA];
	_ =	sdelay $0x3  }
0x34: {  	[smem:$0x3FBA] =	sst s10  }
0x35: {  	s10 =	sld [smem:$0x3FB9];
	_ =	sdelay $0x3  }
0x36: {  	p1 =	seq.s32 s10, $0x1;
	s10 =	sld [smem:$0x3FBA];
	_ =	sdelay $0x3  }
0x37: {  	[smem:$0x3FBA] =	sst s10  }
0x38: {  	s10 =	sld [smem:$0x3FBB]  }
0x39: {  	_ = 	snop;
	(pc) =	sbr.ind lr, $3  }
0x3a: {  	_ = 	snop  }
0x3b: {  	_ = 	snop  }
0x3c: {  	p2 =	seq.s32 s10, $0x1;
	s10 =	sld [smem:$0x3FBA]  }
0x3d: {  	_ =	shalt  }
0x3e: {  	_ =	shalt  }
0x3f: {  	_ =	shalt  }
0x40: {  	_ =	shalt  }
0x41: {  	_ =	shalt  }
0x42: {  	_ =	shalt  }
0x43: {  	_ =	shalt  }
0x44: {  	_ =	shalt  }
0x45: {  	_ =	shalt  }
0x46: {  	_ =	shalt  }
0x47: {  	_ =	shalt  }
0x48: {  	_ =	shalt  }
0x49: {  	_ =	shalt  }
0x4a: {  	_ =	shalt  }
0x4b: {  	_ =	shalt  }
0x4c: {  	_ =	shalt  }
0x4d: {  	_ =	shalt  }
0x4e: {  	_ =	shalt  }
0x4f: {  	_ =	shalt  }
0x50: {  	_ =	shalt  }
0x51: {  	_ =	shalt  }
0x52: {  	_ =	shalt  }
0x53: {  	_ =	shalt  }
0x54: {  	_ =	shalt  }
0x55: {  	_ =	shalt  }
0x56: {  	_ =	shalt  }
0x57: {  	_ =	shalt  }
0x58: {  	_ =	shalt  }
0x59: {  	_ =	shalt  }
0x5a: {  	_ =	shalt  }
0x5b: {  	_ =	shalt  }
0x5c: {  	_ =	shalt  }
0x5d: {  	_ =	shalt  }
0x5e: {  	_ =	shalt  }
0x5f: {  	_ =	shalt  }
0x60: {  	_ =	shalt  }
0x61: {  	_ =	shalt  }
0x62: {  	_ =	shalt  }
0x63: {  	_ =	shalt  }
0x64: {  	_ =	shalt  }
0x65: {  	_ =	shalt  }
0x66: {  	_ =	shalt  }
0x67: {  	_ =	shalt  }
0x68: {  	_ =	shalt  }
0x69: {  	_ =	shalt  }
0x6a: {  	_ =	shalt  }
0x6b: {  	_ =	shalt  }
0x6c: {  	_ =	shalt  }
0x6d: {  	_ =	shalt  }
0x6e: {  	_ =	shalt  }
0x6f: {  	_ =	shalt  }
0x70: {  	_ =	shalt  }
0x71: {  	_ =	shalt  }
0x72: {  	_ =	shalt  }
0x73: {  	_ =	shalt  }
0x74: {  	_ =	shalt  }
0x75: {  	_ =	shalt  }
0x76: {  	_ =	shalt  }
0x77: {  	_ =	shalt  }
0x78: {  	_ =	shalt  }
0x79: {  	_ =	shalt  }
0x7a: {  	_ =	shalt  }
0x7b: {  	_ =	shalt  }
0x7c: {  	_ =	shalt  }
0x7d: {  	_ =	shalt  }
0x7e: {  	_ =	shalt  }
0x7f: {  	_ =	shalt  }
0x80: {  	_ =	shalt  }
0x81: {  	_ =	shalt  }
0x82: {  	_ =	shalt  }
0x83: {  	_ =	shalt  }
0x84: {  	_ =	shalt  }
0x85: {  	_ =	shalt  }
0x86: {  	_ =	shalt  }
0x87: {  	_ =	shalt  }
.Lfunc_end0:
.L_simem_size_0:
called_computation.5_lowered:
.L_overlay_start_0:
0x88: {  	s2 =	sld [smem:$0x3FD9]  }
0x89: {  	s3 =	sld [smem:$0x3FFE];
	_ =	sdelay $0x1  }
0x8a: {  	s1 =	srdreg.scid  }
0x8b: {  	s0 =	sand.u32 $0x1, s1  }
0x8c: {  	s15 =	sshll.u32 s0, $0xA;
	s2 =	sadd.s32 s3, s2  }
0x8d: {  	s2 =	sadd.s32 s2, s15  }
0x8e: {  	[smem:$0x3FC6] =	sst s2  }
0x8f: {  	_ = 	snop  }
0x90: {  	s16 =	sld [smem:$0x3FD0];
	_ =	sdelay $0x2  }
0x91: {  	s4 =	simm.s32 $0xF;
	s5 =	simm.s32 $0x10;
	s2 =	sld [smem:$0x3FC8]  }
0x92: {  	[smem:s5], [sflag:s4] =	dma.local [hbm:s16], $0x1  }
0x93: {  	_ =	swait.eq [sflag:s4], $0x1  }
0x94: {  	[sflag:s4] =	ssyncset.done $0x0  }
0x95: {  	[sflag:s4] =	ssyncadd.s32 $0xFFFFFFFF  }
0x96: {  	s17 =	sld [smem:$0x10];
	(tm) =	ssettm $0x1  }
0x97: {  	s18 =	sld [smem:$0x3FFB];
	_ =	sdelay $0x3  }
0x98: {  	_ =	strace s18  }
0x99: {  	s3 =	sld [smem:$0x3FFC];
	_ =	sdelay $0x3  }
0x9a: {  	_ =	strace s3  }
0x9b: {  	s3 =	sld [smem:$0x3FFD];
	_ =	sdelay $0x3  }
0x9c: {  	_ =	strace s3  }
0x9d: {  	_ =	strace $0x8FFFFFFF  }
0x9e: {  	s19 =	sld [smem:$0x3FDB];
	_ =	sdelay $0x1  }
0x9f: {  	s20 =	simm.s32 $_scs_section_size  }
0xa0: {  	s6 =	simm.s32 $_size__tile_overlayer_lowered;
	s7 =	simm.s32 $_tile_overlayer_lowered  }
0xa1: {  	s8 =	simm.s32 $0x1BFF;
	s21 =	sshll.u32 s7, $0x1;
	s5 =	sadd.s32 s20, s19  }
0xa2: {  	s22 =	simm.s32 $0x0;
	s6 =	sshll.u32 s6, $0x1;
	s7 =	sadd.s32 s21, s5  }
0xa3: {  	[timem:s22], [sflag:s8] =	dma.local [hbm:s7], s6  }
0xa4: {  	_ =	swait.ge [sflag:s8], s6  }
0xa5: {  	s6 =	ssub.s32 $0x0, s6;
	[sflag:s8] =	ssyncset.done $0x0  }
0xa6: {  	[sflag:s8] =	ssyncadd.s32 s6;
	_ =	sdelay $0x1  }
0xa7: {  	s23 =	simm.s32 $0x1B8B  }
0xa8: {  	_ =	swait.ge [sflag:s23], $0x1  }
0xa9: {  	[sflag:s23] =	ssyncset.done $0x0  }
0xaa: {  	[sflag:s23] =	ssyncadd.s32 $0xFFFFFFFF  }
0xab: {  	s6 =	sld [smem:$0x0]  }
0xac: {  	s7 =	sand.u32 $0xFFFFFFFE, s1  }
0xad: {  	p0 =	sne.s32 s1, s7  }
0xae: {  	s7 =	sshll.u32 @p0 s7, $0xE  }
0xaf: {  	s7 =	sadd.s32 @p0 $0x11B8D, s7;
	s8 =	sshll.u32 @p0 s6, $0x11  }
0xb0: {  	s7 =	sor.u32 @p0 s8, s7  }
0xb1: {  	[sflag:s7] =	ssyncadd.remote.s32 @p0 $0x1;
	_ =	sdelay $0x1  }
0xb2: {  	s7 =	simm.s32 @p0 $0x1B8D  }
0xb3: {  	_ =	swait.eq @p0 [sflag:s7], $0x1  }
0xb4: {  	[sflag:s7] =	ssyncadd.s32 @p0 $0xFFFFFFFF  }
0xb5: {  	s8 =	sshll.u32 @!p0 s1, $0xE  }
0xb6: {  	s8 =	sor.u32 @!p0 $0x4000, s8;
	s7 =	simm.s32 @!p0 $0x1B8D  }
0xb7: {  	s6 =	sshll.u32 @!p0 s6, $0x11;
	s8 =	sadd.s32 @!p0 $0x11B8D, s8;
	_ =	swait.eq @!p0 [sflag:s7], $0x1  }
0xb8: {  	s6 =	sor.u32 @!p0 s6, s8;
	[sflag:s7] =	ssyncadd.s32 @!p0 $0xFFFFFFFF  }
0xb9: {  	s25 =	simm.s32 $0x1B8E;
	s24 =	sld [smem:$0x3FFE];
	[sflag:s6] =	ssyncadd.remote.s32 @!p0 $0x1  }
0xba: {  	s26 =	simm.s32 $execute0_lowered;
	[smem:$0x3FD2] =	sst s25  }
0xbb: {  	s7 =	sshll.u32 s26, $0x1;
	_ =	strace $0x80000055;
	[dreg:$0x1] =	wrdreg $0xFFFFFFFF  }
0xbc: {  	s28 =	simm.s32 $_size_execute0_lowered;
	s5 =	sadd.s32 s5, s7;
	[dreg:$0x0] =	wrdreg $0x0  }
0xbd: {  	s7 =	sshll.u32 s28, $0x1;
	[dreg:$0x2] =	wrdreg s5  }
0xbe: {  	[dreg:$0x3] =	wrdreg s7  }
0xbf: {  	[dreg:$0x4] =	wrdreg $0xC0  }
0xc0: {  	_ =	task [dreg:s22], $0x5FFFF  }
0xc1: {  	[dreg:$0x1] =	wrdreg $0xFFFFFFFF  }
0xc2: {  	[dreg:$0x0] =	wrdreg $0x60  }
0xc3: {  	[dreg:$0x2] =	wrdreg s24  }
0xc4: {  	[dreg:$0x3] =	wrdreg s2  }
0xc5: {  	[dreg:$0x4] =	wrdreg s17  }
0xc6: {  	[dreg:$0x5] =	wrdreg $0xE  }
0xc7: {  	_ =	task.clear_ibuf [dreg:s22], $0x6FFFF;
	_ =	strace $0x90000055  }
0xc8: {  	s29 =	simm.s32 $0xE;
	_ =	strace $0x80000057  }
0xc9: {  	_ =	swait.ge [sflag:s29], $0x1  }
0xca: {  	[sflag:s29] =	ssyncadd.s32 $0xFFFFFFFF  }
0xcb: {  	_ =	strace $0x90000057  }
0xcc: {  	_ =	sfence  }
0xcd: {  	s30 =	sld [smem:$0x0];
	_ =	sdelay $0x2  }
0xce: {  	s31 =	sshll.u32 s1, $0xD;
	s1 =	sshrl.u32 s1, $0x2  }
0xcf: {  	s4 =	sand.u32 $0x4000, s31;
	s1 =	sadd.s32 s1, s30  }
0xd0: {  	s0 =	sor.u32 s4, s0;
	s1 =	sshll.u32 s1, $0x11  }
0xd1: {  	s0 =	sor.u32 s1, s0  }
0xd2: {  	s0 =	sadd.s32 $0x8F2B, s0  }
0xd3: {  	[sflag:s0] =	ssyncadd.remote.s32 $0x1  }
0xd4: {  	_ =	sfence.sel $0xFFFF  }
0xd5: {  	[dreg:$0x0] =	wrdreg $0xFFFFFFFF;
	(pc) =	sbr.abs _section_cstart, $3  }
0xd6: {  	[dreg:$0x1] =	wrdreg $0xFFFFFFFF  }
0xd7: {  	_ =	task.clear_ibuf [dreg:s22], $0x2FFFF;
	_ =	strace $0x9FFFFFFF  }
0xd8: {  	(tm) =	ssettm $0x7FFFFFFF  }
0xd9: {  	_ =	shalt  }
tec
execute0_lowered:
.L_overlay_start_1:
0x0: {  	(tag) =	ssettag $0x1  }
0x1: {  	s4 =	rddreg [dreg:$0x0]  }
0x2: {  	s1 =	srdreg.scid;
	s2 =	rddreg [dreg:$0x1]  }
0x3: {  	s0 =	stileid.u32;
	s6 =	rddreg [dreg:$0x2]  }
0x4: {  	s3 =	simm.s32 $0x0;
	s9 =	simm.s32 $0x880;
	s10 =	simm.s32 $0x1080  }
0x5: {  	s11 =	simm.s32 $0x1880;
	s12 =	simm.s32 $0x2080;
	s13 =	simm.s32 $0x2880  }
0x6: {  	s14 =	simm.s32 $0x3080;
	s15 =	simm.s32 $0x3880;
	s16 =	simm.s32 $0x4080  }
0x7: {  	s17 =	simm.s32 $0x4880;
	s5 =	sand.u32 $0x1, s1;
	s30 =	sshll.u32 s0, $0x1  }
0x8: {  	s18 =	simm.s32 $0x5080;
	s19 =	simm.s32 $0x5880;
	s7 =	sor.u32 s5, s30  }
0x9: {  	s20 =	simm.s32 $0x1;
	s1 =	rddreg [dreg:$0x3];
	s8 =	smul.u32 $0xC, s7  }
0xa: {  	[smem:$0x7FF] =	sst s3;
	s5 =	ssub.s32 $0x2, s5;
	s7 =	smul.u32 $0xC00, s7  }
0xb: {  	v2 =	vlaneseq.u32;
	_ =	strace $0x80000056;
	s31 =	sshrl.u32 s5, $0x1;
	s4 =	sadd.s32 s8, s4  }
0xc: {  	vm0 =	vmmov $0xffff;
	v1 =	vshrl.u32 v2, $0x3;
	s8 =	ssub.s32 s5, s31;
	s5 =	sadd.s32 s6, s7;
	s7 =	simm.s32 $0x2  }
0xd: {  	v0 =	vand.u32 $0x7, v2;
	v2 =	vor.u32 $0x8, v2;
	v1 =	vmul.u32 $0x8, v1;
	s4 =	sadd.s32 $0x8200, s4;
	s6 =	smax.u32 s8, $0x1;
	s8 =	simm.s32 $0x80  }
.LBB2_1:
0xe: {  	[tilespmem:s3], [sflag:$0x2] =	stream.linear.gather [hbm4b:s4+s3], $0x60, $0x38;
	[tilespmem:$0x6080] =	vst v63  }
0xf: {  	_ =	swait.ge [sflag:s7], $0x60  }
0x10: {  	[sflag:s7] =	ssyncset.done $0x0  }
0x11: {  	[sflag:s7] =	ssyncadd.s32 $0xFFFFFFA0  }
0x12: {  	v3 =	vld [tilespmem:$0x0];
	_ =	sdelay $0x4  }
0x13: {  	v4 =	vshll.u32 v3, $0x1  }
0x14: {  	v3 =	vand.u32 $0x7, v3;
	v4 =	vand.u32 $0xFFFFFFF0, v4  }
0x15: {  	v3 =	vor.u32 v3, v4  }
0x16: {  	v4 =	vperm.xlane v3, v0;
	_ =	sdelay $0x1  }
0x17: {  	v3 =	vperm.xlane v3, v2;
	v4 =	vadd.s32 v1, v4;
	_ =	sdelay $0x1  }
0x18: {  	v3 =	vadd.s32 v1, v3;
	_ =	sdelay $0x2  }
0x19: {  	[tilespmem:s8], [sflag:$0x1] =	stream.indirect_vreg.gather [hbm4b:s2+s3], $0x80, v4, vm0, $0xb8;
	[tilespmem:$0x6080] =	vst v63  }
0x1a: {  	_ = 	snop  }
0x1b: {  	[tilespmem:s9], [sflag:$0x1] =	stream.indirect_vreg.gather [hbm4b:s2+s3], $0x80, v3, vm0, $0xb8;
	[tilespmem:$0x6080] =	vst v63  }
0x1c: {  	v3 =	vld [tilespmem:$0x10];
	_ =	sdelay $0x4  }
0x1d: {  	v59 =	vshll.u32 v3, $0x1  }
0x1e: {  	v3 =	vand.u32 $0x7, v3;
	v4 =	vand.u32 $0xFFFFFFF0, v59  }
0x1f: {  	v3 =	vor.u32 v3, v4  }
0x20: {  	v4 =	vperm.xlane v3, v0;
	_ =	sdelay $0x1  }
0x21: {  	v3 =	vperm.xlane v3, v2;
	v4 =	vadd.s32 v1, v4;
	_ =	sdelay $0x1  }
0x22: {  	v3 =	vadd.s32 v1, v3;
	_ =	sdelay $0x2  }
0x23: {  	[tilespmem:s10], [sflag:$0x1] =	stream.indirect_vreg.gather [hbm4b:s2+s3], $0x80, v4, vm0, $0xb8;
	[tilespmem:$0x6080] =	vst v63  }
0x24: {  	_ = 	snop  }
0x25: {  	[tilespmem:s11], [sflag:$0x1] =	stream.indirect_vreg.gather [hbm4b:s2+s3], $0x80, v3, vm0, $0xb8;
	[tilespmem:$0x6080] =	vst v63  }
0x26: {  	v3 =	vld [tilespmem:$0x20];
	_ =	sdelay $0x4  }
0x27: {  	v60 =	vshll.u32 v3, $0x1  }
0x28: {  	v3 =	vand.u32 $0x7, v3;
	v4 =	vand.u32 $0xFFFFFFF0, v60  }
0x29: {  	v3 =	vor.u32 v3, v4  }
0x2a: {  	v4 =	vperm.xlane v3, v0;
	_ =	sdelay $0x1  }
0x2b: {  	v3 =	vperm.xlane v3, v2;
	v4 =	vadd.s32 v1, v4;
	_ =	sdelay $0x1  }
0x2c: {  	v3 =	vadd.s32 v1, v3;
	_ =	sdelay $0x2  }
0x2d: {  	[tilespmem:s12], [sflag:$0x1] =	stream.indirect_vreg.gather [hbm4b:s2+s3], $0x80, v4, vm0, $0xb8;
	[tilespmem:$0x6080] =	vst v63  }
0x2e: {  	_ = 	snop  }
0x2f: {  	[tilespmem:s13], [sflag:$0x1] =	stream.indirect_vreg.gather [hbm4b:s2+s3], $0x80, v3, vm0, $0xb8;
	[tilespmem:$0x6080] =	vst v63  }
0x30: {  	v3 =	vld [tilespmem:$0x30];
	_ =	sdelay $0x4  }
0x31: {  	v61 =	vshll.u32 v3, $0x1  }
0x32: {  	v3 =	vand.u32 $0x7, v3;
	v4 =	vand.u32 $0xFFFFFFF0, v61  }
0x33: {  	v3 =	vor.u32 v3, v4  }
0x34: {  	v4 =	vperm.xlane v3, v0;
	_ =	sdelay $0x1  }
0x35: {  	v3 =	vperm.xlane v3, v2;
	v4 =	vadd.s32 v1, v4;
	_ =	sdelay $0x1  }
0x36: {  	v3 =	vadd.s32 v1, v3;
	_ =	sdelay $0x2  }
0x37: {  	[tilespmem:s14], [sflag:$0x1] =	stream.indirect_vreg.gather [hbm4b:s2+s3], $0x80, v4, vm0, $0xb8;
	[tilespmem:$0x6080] =	vst v63  }
0x38: {  	_ = 	snop  }
0x39: {  	[tilespmem:s15], [sflag:$0x1] =	stream.indirect_vreg.gather [hbm4b:s2+s3], $0x80, v3, vm0, $0xb8;
	[tilespmem:$0x6080] =	vst v63  }
0x3a: {  	v3 =	vld [tilespmem:$0x40];
	_ =	sdelay $0x4  }
0x3b: {  	v62 =	vshll.u32 v3, $0x1  }
0x3c: {  	v3 =	vand.u32 $0x7, v3;
	v4 =	vand.u32 $0xFFFFFFF0, v62  }
0x3d: {  	v3 =	vor.u32 v3, v4  }
0x3e: {  	v4 =	vperm.xlane v3, v0;
	_ =	sdelay $0x1  }
0x3f: {  	v3 =	vperm.xlane v3, v2;
	v4 =	vadd.s32 v1, v4;
	_ =	sdelay $0x1  }
0x40: {  	v3 =	vadd.s32 v1, v3;
	_ =	sdelay $0x2  }
0x41: {  	[tilespmem:s16], [sflag:$0x1] =	stream.indirect_vreg.gather [hbm4b:s2+s3], $0x80, v4, vm0, $0xb8;
	[tilespmem:$0x6080] =	vst v63  }
0x42: {  	_ = 	snop  }
0x43: {  	[tilespmem:s17], [sflag:$0x1] =	stream.indirect_vreg.gather [hbm4b:s2+s3], $0x80, v3, vm0, $0xb8;
	[tilespmem:$0x6080] =	vst v63  }
0x44: {  	v3 =	vld [tilespmem:$0x50];
	_ =	sdelay $0x4  }
0x45: {  	v63 =	vshll.u32 v3, $0x1  }
0x46: {  	v3 =	vand.u32 $0x7, v3;
	v4 =	vand.u32 $0xFFFFFFF0, v63  }
0x47: {  	v3 =	vor.u32 v3, v4  }
0x48: {  	v4 =	vperm.xlane v3, v0;
	_ =	sdelay $0x1  }
0x49: {  	v3 =	vperm.xlane v3, v2;
	v4 =	vadd.s32 v1, v4;
	_ =	sdelay $0x1  }
0x4a: {  	v3 =	vadd.s32 v1, v3;
	_ =	sdelay $0x2  }
0x4b: {  	[tilespmem:s18], [sflag:$0x1] =	stream.indirect_vreg.gather [hbm4b:s2+s3], $0x80, v4, vm0, $0xb8;
	[tilespmem:$0x6080] =	vst v63  }
0x4c: {  	_ = 	snop  }
0x4d: {  	[tilespmem:s19], [sflag:$0x1] =	stream.indirect_vreg.gather [hbm4b:s2+s3], $0x80, v3, vm0, $0xb8;
	[tilespmem:$0x6080] =	vst v63  }
0x4e: {  	_ =	swait.ge [sflag:s20], $0x6000  }
0x4f: {  	p0 =	sne.s32 s6, $0x1;
	[sflag:s20] =	ssyncset.done $0x0  }
.Ltmp0:
0x50: {  	[sflag:s20] =	ssyncadd.s32 $0xFFFFA000;
	(pc) =	sbr.rel @p0 .LBB2_1-.Ltmp0, $4  }
0x51: {  	[hbm4b:s5+s3] =	stream.linear.scatter [tilespmem:s8], [sflag:$0x2], $0x6000, $0x38;
	[tilespmem:$0x6080] =	vst v63  }
0x52: {  	_ =	swait.ge [sflag:s7], $0x6000  }
0x53: {  	[sflag:s7] =	ssyncset.done $0x0  }
0x54: {  	s6 =	sadd.s32 $0xFFFFFFFF, s6;
	[sflag:s7] =	ssyncadd.s32 $0xFFFFA000  }
0x55: {  	_ =	sfence.sel $0x180000  }
0x56: {  	[bflag:$0x0] =	sbarrier.arrive $0xFFFF  }
0x57: {  	p0 =	sne.s32 s0, $0x0;
	_ =	strace $0x90000056  }
0x58: {  	s0 =	sadd.s32 @!p0 $0x100000, s1;
	[bflag:$0x2] =	sbarrier.arrive $0xFFFF  }
0x59: {  	[sflag:s0] =	ssyncadd.tile.s32 @!p0 $0x1;
	_ =	shalt  }
.Lfunc_end2:
_tile_overlayer_lowered:
.L_overlay_start_2:
0x5a: {  	(tag) =	ssettag $0x2  }
0x5b: {  	s0 =	rddreg [dreg:$0x0];
	s2 =	stileid.u32  }
0x5c: {  	s1 =	rddreg [dreg:$0x1];
	p0 =	sne.s32 s2, $0x0  }
0x5d: {  	s3 =	rddreg [dreg:$0x2];
	[bflag:$0x3] =	sbarrier.arrive $0xFFFF;
	s2 =	simm.s32 @!p0 $0x1C02  }
0x5e: {  	[timem:s3], [sflag:s2] =	dma.local @!p0 [hbm:s0], s1  }
0x5f: {  	s0 =	simm.s32 @!p0 $0x2  }
0x60: {  	_ =	swait.ge @!p0 [sflag:s0], s1  }
0x61: {  	s1 =	ssub.s32 @!p0 $0x0, s1;
	[sflag:s0] =	ssyncset.done @!p0 $0x0  }
0x62: {  	[sflag:s0] =	ssyncadd.s32 @!p0 s1  }
0x63: {  	[bflag:$0x3] =	sbarrier.arrive $0xFFFF  }
0x64: {  	_ =	shalt  }

</sc_bundles>
